<compile_context>
chip_gen: v7x
topology: tpu7x:2x2x1
jax: 0.10.2.dev20260603
libtpu: 0.0.44.dev20260713+nightly
codegen_flags: <defaults>
</compile_context>

<pallas_src>
import jax
import jax.numpy as jnp
from jax import lax
from jax.experimental import pallas as pl
from jax.experimental.pallas import tpu as pltpu
from jax.experimental.pallas import tpu_sc as plsc

NC = 2
NS = 16

B, H, S, D = 2, 16, 8192, 128
N = 4096
NBUF = 4
CHUNK = 128
NCHUNK = N // CHUNK
VPC = CHUNK // 16


def _gather_body(x_hbm, idx_hbm, out_hbm, idx_v, offs_v, bufs, gsems, ssems):
    wid = lax.axis_index("s") * NC + lax.axis_index("c")
    base_row = wid * S
    out_base = wid * N

    pltpu.sync_copy(idx_hbm, idx_v)

    def add_chunk_dyn(c):
        for i in range(VPC):
            sl = pl.ds(c * CHUNK + i * 16, 16)
            offs_v[sl] = idx_v[sl] + base_row

    def start_gather_dyn(c, b):
        pltpu.async_copy(
            x_hbm.at[offs_v.at[pl.ds(c * CHUNK, CHUNK)]], bufs[b], gsems[b])

    def start_gather(c):
        start_gather_dyn(c, c % NBUF)

    def wait_gather(b):
        pltpu.make_async_copy(
            x_hbm.at[offs_v.at[pl.ds(0, CHUNK)]], bufs[b], gsems[b]).wait()

    def start_scatter_dyn(c, b):
        pltpu.async_copy(
            bufs[b], out_hbm.at[pl.ds(out_base + c * CHUNK, CHUNK)], ssems[b])

    def wait_scatter(b):
        pltpu.make_async_copy(
            bufs[b], out_hbm.at[pl.ds(out_base, CHUNK)], ssems[b]).wait()

    for c in range(NBUF - 1):
        add_chunk_dyn(c)
        start_gather(c)

    def outer(i, carry):
        c4 = i * NBUF
        for b in range(NBUF):
            c = c4 + b
            wait_gather(b)
            start_scatter_dyn(c, b)

            @pl.when(c >= 1)
            def _():
                wait_scatter((b - 1) % NBUF)

            @pl.when(c + NBUF - 1 < NCHUNK)
            def _():
                add_chunk_dyn(c + NBUF - 1)
                start_gather_dyn(c + NBUF - 1, (b - 1) % NBUF)

        return carry

    lax.fori_loop(0, NCHUNK // NBUF, outer, 0)
    wait_scatter((NCHUNK - 1) % NBUF)


@jax.jit
def _direct_slice(x_flat, idx):
    mesh = plsc.VectorSubcoreMesh(core_axis_name="c", subcore_axis_name="s")
    kern = pl.kernel(
        _gather_body,
        out_type=jax.ShapeDtypeStruct((B * H * N, D), jnp.float32),
        mesh=mesh,
        scratch_types=[
            pltpu.VMEM((N,), jnp.int32),
            pltpu.VMEM((N,), jnp.int32),
            [pltpu.VMEM((CHUNK, D), jnp.float32) for _ in range(NBUF)],
            [pltpu.SemaphoreType.DMA for _ in range(NBUF)],
            [pltpu.SemaphoreType.DMA for _ in range(NBUF)],
        ],
    )
    return kern(x_flat, idx)


def kernel(x, indices_to_select):
    idx = indices_to_select.astype(jnp.int32)
    x_flat = x.reshape(B * H * S, D)
    out_flat = _direct_slice(x_flat, idx)
    return out_flat.reshape(B, H, N, D)

# --- scband reference (transcript-rebuilt; emitter-appended) ---
"""Pipeline reference for scband-direct-slice-12515534701276 (READ-ONLY COPY).

The authoritative reference and input builder live on the scoring server;
editing this copy changes nothing except your own understanding.
"""

import jax, jax.numpy as jnp
import numpy as np


def setup_inputs(seed: int = 0) -> dict:
    key = jax.random.key(seed)
    k1, k2 = jax.random.split(key)
    x = jax.random.normal(k1, (2, 16, 8192, 128), dtype=jnp.float32)
    indices_to_select = jax.random.randint(k2, (4096,), 0, 8192, dtype=jnp.int64 if jax.config.jax_enable_x64 else jnp.int32)
    return {"x": x, "indices_to_select": indices_to_select}


def reference(x, indices_to_select):
    # Faithful translation of DirectSlice.forward: torch.index_select(x, dim=2, index=indices)
    result = jnp.take(x, indices_to_select, axis=2)
    return result

if __name__ == "__main__":
    import jax
    _d = setup_inputs()
    print(jax.jit(kernel)(*tuple(_d.values())))

</pallas_src>

<mosaic_0001>
#map = affine_map<(d0, d1) -> (0, 0)>
#map1 = affine_map<(d0, d1) -> (0)>
module attributes {stable_mosaic.version = 14 : i64} {
  func.func @_gather_body(%arg0: i32, %arg1: i32, %arg2: memref<262144x128xf32, #tpu.memory_space<hbm>>, %arg3: memref<4096xi32, #tpu.memory_space<hbm>>, %arg4: memref<131072x128xf32, #tpu.memory_space<hbm>>, %arg5: memref<4096xi32, #tpu.memory_space<vmem>>, %arg6: memref<4096xi32, #tpu.memory_space<vmem>>, %arg7: memref<128x128xf32, #tpu.memory_space<vmem>>, %arg8: memref<128x128xf32, #tpu.memory_space<vmem>>, %arg9: memref<128x128xf32, #tpu.memory_space<vmem>>, %arg10: memref<128x128xf32, #tpu.memory_space<vmem>>, %arg11: memref<!tpu.dma_semaphore, #tpu.memory_space<semaphore_mem>>, %arg12: memref<!tpu.dma_semaphore, #tpu.memory_space<semaphore_mem>>, %arg13: memref<!tpu.dma_semaphore, #tpu.memory_space<semaphore_mem>>, %arg14: memref<!tpu.dma_semaphore, #tpu.memory_space<semaphore_mem>>, %arg15: memref<!tpu.dma_semaphore, #tpu.memory_space<semaphore_mem>>, %arg16: memref<!tpu.dma_semaphore, #tpu.memory_space<semaphore_mem>>, %arg17: memref<!tpu.dma_semaphore, #tpu.memory_space<semaphore_mem>>, %arg18: memref<!tpu.dma_semaphore, #tpu.memory_space<semaphore_mem>>) attributes {dimension_semantics = [#tpu.dimension_semantics<core_parallel>, #tpu.dimension_semantics<subcore_parallel>], iteration_bounds = array<i64: 2, 16>, scalar_prefetch = 0 : i64, scratch_operands = 14 : i64, tpu.core_type = #tpu.core_type<sc_vector_subcore>, window_params = [{transform_indices = #map}, {transform_indices = #map1}, {transform_indices = #map}]} {
    %mul3A = arith.constant 2 : i32
    %mul3A_0 = arith.muli %arg1, %mul3A : i32
    %add3A = arith.addi %mul3A_0, %arg0 : i32
    %mul3A_1 = arith.constant 8192 : i32
    %mul3A_2 = arith.muli %add3A, %mul3A_1 : i32
    %mul3A_3 = arith.constant 4096 : i32
    %mul3A_4 = arith.muli %add3A, %mul3A_3 : i32
    "tpu.region"() ({
      %run_scoped3A = tpu.sem_alloc : memref<!tpu.dma_semaphore, #tpu.memory_space<semaphore_mem>>
      tpu.enqueue_dma source(%arg3 : memref<4096xi32, #tpu.memory_space<hbm>>) target(%arg5 : memref<4096xi32, #tpu.memory_space<vmem>>) target_semaphore(%run_scoped3A : memref<!tpu.dma_semaphore, #tpu.memory_space<semaphore_mem>>)
      tpu.wait_dma2 semaphore(%run_scoped3A : memref<!tpu.dma_semaphore, #tpu.memory_space<semaphore_mem>>) src(%arg3 : memref<4096xi32, #tpu.memory_space<hbm>>) dst(%arg5 : memref<4096xi32, #tpu.memory_space<vmem>>)
      tpu.yield
    }) : () -> ()
    %get3A = arith.constant 0 : index
    %get3A_5 = tpu.vector_load %arg5[%get3A] {strides = array<i32>} : memref<4096xi32, #tpu.memory_space<vmem>>, vector<16xi32>,
    %get3A_6 = vector.shape_cast %get3A_5 : vector<16xi32> to vector<16xi32>
    %add3A_7 = vector.broadcast %mul3A_2 : i32 to vector<16xi32>
    %add3A_8 = arith.addi %get3A_6, %add3A_7 : vector<16xi32>
    %swap3A = arith.constant 0 : index
    %swap3A_9 = tpu.vector_load %arg6[%swap3A] {strides = array<i32>} : memref<4096xi32, #tpu.memory_space<vmem>>, vector<16xi32>,
    %swap3A_10 = vector.shape_cast %swap3A_9 : vector<16xi32> to vector<16xi32>
    %swap3A_11 = vector.shape_cast %add3A_8 : vector<16xi32> to vector<16xi32>
    tpu.vector_store %arg6[%swap3A], %swap3A_11 {strides = array<i32>} : memref<4096xi32, #tpu.memory_space<vmem>>, vector<16xi32>,
    %get3A_12 = arith.constant 16 : index
    %get3A_13 = tpu.vector_load %arg5[%get3A_12] {strides = array<i32>} : memref<4096xi32, #tpu.memory_space<vmem>>, vector<16xi32>,
    %get3A_14 = vector.shape_cast %get3A_13 : vector<16xi32> to vector<16xi32>
    %add3A_15 = vector.broadcast %mul3A_2 : i32 to vector<16xi32>
    %add3A_16 = arith.addi %get3A_14, %add3A_15 : vector<16xi32>
    %swap3A_17 = arith.constant 16 : index
    %swap3A_18 = tpu.vector_load %arg6[%swap3A_17] {strides = array<i32>} : memref<4096xi32, #tpu.memory_space<vmem>>, vector<16xi32>,
    %swap3A_19 = vector.shape_cast %swap3A_18 : vector<16xi32> to vector<16xi32>
    %swap3A_20 = vector.shape_cast %add3A_16 : vector<16xi32> to vector<16xi32>
    tpu.vector_store %arg6[%swap3A_17], %swap3A_20 {strides = array<i32>} : memref<4096xi32, #tpu.memory_space<vmem>>, vector<16xi32>,
    %get3A_21 = arith.constant 32 : index
    %get3A_22 = tpu.vector_load %arg5[%get3A_21] {strides = array<i32>} : memref<4096xi32, #tpu.memory_space<vmem>>, vector<16xi32>,
    %get3A_23 = vector.shape_cast %get3A_22 : vector<16xi32> to vector<16xi32>
    %add3A_24 = vector.broadcast %mul3A_2 : i32 to vector<16xi32>
    %add3A_25 = arith.addi %get3A_23, %add3A_24 : vector<16xi32>
    %swap3A_26 = arith.constant 32 : index
    %swap3A_27 = tpu.vector_load %arg6[%swap3A_26] {strides = array<i32>} : memref<4096xi32, #tpu.memory_space<vmem>>, vector<16xi32>,
    %swap3A_28 = vector.shape_cast %swap3A_27 : vector<16xi32> to vector<16xi32>
    %swap3A_29 = vector.shape_cast %add3A_25 : vector<16xi32> to vector<16xi32>
    tpu.vector_store %arg6[%swap3A_26], %swap3A_29 {strides = array<i32>} : memref<4096xi32, #tpu.memory_space<vmem>>, vector<16xi32>,
    %get3A_30 = arith.constant 48 : index
    %get3A_31 = tpu.vector_load %arg5[%get3A_30] {strides = array<i32>} : memref<4096xi32, #tpu.memory_space<vmem>>, vector<16xi32>,
    %get3A_32 = vector.shape_cast %get3A_31 : vector<16xi32> to vector<16xi32>
    %add3A_33 = vector.broadcast %mul3A_2 : i32 to vector<16xi32>
    %add3A_34 = arith.addi %get3A_32, %add3A_33 : vector<16xi32>
    %swap3A_35 = arith.constant 48 : index
    %swap3A_36 = tpu.vector_load %arg6[%swap3A_35] {strides = array<i32>} : memref<4096xi32, #tpu.memory_space<vmem>>, vector<16xi32>,
    %swap3A_37 = vector.shape_cast %swap3A_36 : vector<16xi32> to vector<16xi32>
    %swap3A_38 = vector.shape_cast %add3A_34 : vector<16xi32> to vector<16xi32>
    tpu.vector_store %arg6[%swap3A_35], %swap3A_38 {strides = array<i32>} : memref<4096xi32, #tpu.memory_space<vmem>>, vector<16xi32>,
    %get3A_39 = arith.constant 64 : index
    %get3A_40 = tpu.vector_load %arg5[%get3A_39] {strides = array<i32>} : memref<4096xi32, #tpu.memory_space<vmem>>, vector<16xi32>,
    %get3A_41 = vector.shape_cast %get3A_40 : vector<16xi32> to vector<16xi32>
    %add3A_42 = vector.broadcast %mul3A_2 : i32 to vector<16xi32>
    %add3A_43 = arith.addi %get3A_41, %add3A_42 : vector<16xi32>
    %swap3A_44 = arith.constant 64 : index
    %swap3A_45 = tpu.vector_load %arg6[%swap3A_44] {strides = array<i32>} : memref<4096xi32, #tpu.memory_space<vmem>>, vector<16xi32>,
    %swap3A_46 = vector.shape_cast %swap3A_45 : vector<16xi32> to vector<16xi32>
    %swap3A_47 = vector.shape_cast %add3A_43 : vector<16xi32> to vector<16xi32>
    tpu.vector_store %arg6[%swap3A_44], %swap3A_47 {strides = array<i32>} : memref<4096xi32, #tpu.memory_space<vmem>>, vector<16xi32>,
    %get3A_48 = arith.constant 80 : index
    %get3A_49 = tpu.vector_load %arg5[%get3A_48] {strides = array<i32>} : memref<4096xi32, #tpu.memory_space<vmem>>, vector<16xi32>,
    %get3A_50 = vector.shape_cast %get3A_49 : vector<16xi32> to vector<16xi32>
    %add3A_51 = vector.broadcast %mul3A_2 : i32 to vector<16xi32>
    %add3A_52 = arith.addi %get3A_50, %add3A_51 : vector<16xi32>
    %swap3A_53 = arith.constant 80 : index
    %swap3A_54 = tpu.vector_load %arg6[%swap3A_53] {strides = array<i32>} : memref<4096xi32, #tpu.memory_space<vmem>>, vector<16xi32>,
    %swap3A_55 = vector.shape_cast %swap3A_54 : vector<16xi32> to vector<16xi32>
    %swap3A_56 = vector.shape_cast %add3A_52 : vector<16xi32> to vector<16xi32>
    tpu.vector_store %arg6[%swap3A_53], %swap3A_56 {strides = array<i32>} : memref<4096xi32, #tpu.memory_space<vmem>>, vector<16xi32>,
    %get3A_57 = arith.constant 96 : index
    %get3A_58 = tpu.vector_load %arg5[%get3A_57] {strides = array<i32>} : memref<4096xi32, #tpu.memory_space<vmem>>, vector<16xi32>,
    %get3A_59 = vector.shape_cast %get3A_58 : vector<16xi32> to vector<16xi32>
    %add3A_60 = vector.broadcast %mul3A_2 : i32 to vector<16xi32>
    %add3A_61 = arith.addi %get3A_59, %add3A_60 : vector<16xi32>
    %swap3A_62 = arith.constant 96 : index
    %swap3A_63 = tpu.vector_load %arg6[%swap3A_62] {strides = array<i32>} : memref<4096xi32, #tpu.memory_space<vmem>>, vector<16xi32>,
    %swap3A_64 = vector.shape_cast %swap3A_63 : vector<16xi32> to vector<16xi32>
    %swap3A_65 = vector.shape_cast %add3A_61 : vector<16xi32> to vector<16xi32>
    tpu.vector_store %arg6[%swap3A_62], %swap3A_65 {strides = array<i32>} : memref<4096xi32, #tpu.memory_space<vmem>>, vector<16xi32>,
    %get3A_66 = arith.constant 112 : index
    %get3A_67 = tpu.vector_load %arg5[%get3A_66] {strides = array<i32>} : memref<4096xi32, #tpu.memory_space<vmem>>, vector<16xi32>,
    %get3A_68 = vector.shape_cast %get3A_67 : vector<16xi32> to vector<16xi32>
    %add3A_69 = vector.broadcast %mul3A_2 : i32 to vector<16xi32>
    %add3A_70 = arith.addi %get3A_68, %add3A_69 : vector<16xi32>
    %swap3A_71 = arith.constant 112 : index
    %swap3A_72 = tpu.vector_load %arg6[%swap3A_71] {strides = array<i32>} : memref<4096xi32, #tpu.memory_space<vmem>>, vector<16xi32>,
    %swap3A_73 = vector.shape_cast %swap3A_72 : vector<16xi32> to vector<16xi32>
    %swap3A_74 = vector.shape_cast %add3A_70 : vector<16xi32> to vector<16xi32>
    tpu.vector_store %arg6[%swap3A_71], %swap3A_74 {strides = array<i32>} : memref<4096xi32, #tpu.memory_space<vmem>>, vector<16xi32>,
    %dma_start3A = arith.constant 0 : i32
    %dma_start3A_75 = tpu.memref_slice %arg6[%dma_start3A] : memref<4096xi32, #tpu.memory_space<vmem>> -> memref<128xi32, #tpu.memory_space<vmem>>
    %dma_start3A_76 = arith.constant 0 : i32
    %dma_start3A_77 = arith.constant 0 : i32
    %dma_start3A_78 = tpu.memref_slice %arg2[%dma_start3A_76, %dma_start3A_77] : memref<262144x128xf32, #tpu.memory_space<hbm>> -> memref<262144x128xf32, #tpu.memory_space<hbm>>
    tpu.enqueue_indirect_dma source(%dma_start3A_78 : memref<262144x128xf32, #tpu.memory_space<hbm>>) target(%arg7 : memref<128x128xf32, #tpu.memory_space<vmem>>) offsets(%dma_start3A_75 : memref<128xi32, #tpu.memory_space<vmem>>) semaphore(%arg11 : memref<!tpu.dma_semaphore, #tpu.memory_space<semaphore_mem>>)
    %get3A_79 = arith.constant 128 : index
    %get3A_80 = tpu.vector_load %arg5[%get3A_79] {strides = array<i32>} : memref<4096xi32, #tpu.memory_space<vmem>>, vector<16xi32>,
    %get3A_81 = vector.shape_cast %get3A_80 : vector<16xi32> to vector<16xi32>
    %add3A_82 = vector.broadcast %mul3A_2 : i32 to vector<16xi32>
    %add3A_83 = arith.addi %get3A_81, %add3A_82 : vector<16xi32>
    %swap3A_84 = arith.constant 128 : index
    %swap3A_85 = tpu.vector_load %arg6[%swap3A_84] {strides = array<i32>} : memref<4096xi32, #tpu.memory_space<vmem>>, vector<16xi32>,
    %swap3A_86 = vector.shape_cast %swap3A_85 : vector<16xi32> to vector<16xi32>
    %swap3A_87 = vector.shape_cast %add3A_83 : vector<16xi32> to vector<16xi32>
    tpu.vector_store %arg6[%swap3A_84], %swap3A_87 {strides = array<i32>} : memref<4096xi32, #tpu.memory_space<vmem>>, vector<16xi32>,
    %get3A_88 = arith.constant 144 : index
    %get3A_89 = tpu.vector_load %arg5[%get3A_88] {strides = array<i32>} : memref<4096xi32, #tpu.memory_space<vmem>>, vector<16xi32>,
    %get3A_90 = vector.shape_cast %get3A_89 : vector<16xi32> to vector<16xi32>
    %add3A_91 = vector.broadcast %mul3A_2 : i32 to vector<16xi32>
    %add3A_92 = arith.addi %get3A_90, %add3A_91 : vector<16xi32>
    %swap3A_93 = arith.constant 144 : index
    %swap3A_94 = tpu.vector_load %arg6[%swap3A_93] {strides = array<i32>} : memref<4096xi32, #tpu.memory_space<vmem>>, vector<16xi32>,
    %swap3A_95 = vector.shape_cast %swap3A_94 : vector<16xi32> to vector<16xi32>
    %swap3A_96 = vector.shape_cast %add3A_92 : vector<16xi32> to vector<16xi32>
    tpu.vector_store %arg6[%swap3A_93], %swap3A_96 {strides = array<i32>} : memref<4096xi32, #tpu.memory_space<vmem>>, vector<16xi32>,
    %get3A_97 = arith.constant 160 : index
    %get3A_98 = tpu.vector_load %arg5[%get3A_97] {strides = array<i32>} : memref<4096xi32, #tpu.memory_space<vmem>>, vector<16xi32>,
    %get3A_99 = vector.shape_cast %get3A_98 : vector<16xi32> to vector<16xi32>
    %add3A_100 = vector.broadcast %mul3A_2 : i32 to vector<16xi32>
    %add3A_101 = arith.addi %get3A_99, %add3A_100 : vector<16xi32>
    %swap3A_102 = arith.constant 160 : index
    %swap3A_103 = tpu.vector_load %arg6[%swap3A_102] {strides = array<i32>} : memref<4096xi32, #tpu.memory_space<vmem>>, vector<16xi32>,
    %swap3A_104 = vector.shape_cast %swap3A_103 : vector<16xi32> to vector<16xi32>
    %swap3A_105 = vector.shape_cast %add3A_101 : vector<16xi32> to vector<16xi32>
    tpu.vector_store %arg6[%swap3A_102], %swap3A_105 {strides = array<i32>} : memref<4096xi32, #tpu.memory_space<vmem>>, vector<16xi32>,
    %get3A_106 = arith.constant 176 : index
    %get3A_107 = tpu.vector_load %arg5[%get3A_106] {strides = array<i32>} : memref<4096xi32, #tpu.memory_space<vmem>>, vector<16xi32>,
    %get3A_108 = vector.shape_cast %get3A_107 : vector<16xi32> to vector<16xi32>
    %add3A_109 = vector.broadcast %mul3A_2 : i32 to vector<16xi32>
    %add3A_110 = arith.addi %get3A_108, %add3A_109 : vector<16xi32>
    %swap3A_111 = arith.constant 176 : index
    %swap3A_112 = tpu.vector_load %arg6[%swap3A_111] {strides = array<i32>} : memref<4096xi32, #tpu.memory_space<vmem>>, vector<16xi32>,
    %swap3A_113 = vector.shape_cast %swap3A_112 : vector<16xi32> to vector<16xi32>
    %swap3A_114 = vector.shape_cast %add3A_110 : vector<16xi32> to vector<16xi32>
    tpu.vector_store %arg6[%swap3A_111], %swap3A_114 {strides = array<i32>} : memref<4096xi32, #tpu.memory_space<vmem>>, vector<16xi32>,
    %get3A_115 = arith.constant 192 : index
    %get3A_116 = tpu.vector_load %arg5[%get3A_115] {strides = array<i32>} : memref<4096xi32, #tpu.memory_space<vmem>>, vector<16xi32>,
    %get3A_117 = vector.shape_cast %get3A_116 : vector<16xi32> to vector<16xi32>
    %add3A_118 = vector.broadcast %mul3A_2 : i32 to vector<16xi32>
    %add3A_119 = arith.addi %get3A_117, %add3A_118 : vector<16xi32>
    %swap3A_120 = arith.constant 192 : index
    %swap3A_121 = tpu.vector_load %arg6[%swap3A_120] {strides = array<i32>} : memref<4096xi32, #tpu.memory_space<vmem>>, vector<16xi32>,
    %swap3A_122 = vector.shape_cast %swap3A_121 : vector<16xi32> to vector<16xi32>
    %swap3A_123 = vector.shape_cast %add3A_119 : vector<16xi32> to vector<16xi32>
    tpu.vector_store %arg6[%swap3A_120], %swap3A_123 {strides = array<i32>} : memref<4096xi32, #tpu.memory_space<vmem>>, vector<16xi32>,
    %get3A_124 = arith.constant 208 : index
    %get3A_125 = tpu.vector_load %arg5[%get3A_124] {strides = array<i32>} : memref<4096xi32, #tpu.memory_space<vmem>>, vector<16xi32>,
    %get3A_126 = vector.shape_cast %get3A_125 : vector<16xi32> to vector<16xi32>
    %add3A_127 = vector.broadcast %mul3A_2 : i32 to vector<16xi32>
    %add3A_128 = arith.addi %get3A_126, %add3A_127 : vector<16xi32>
    %swap3A_129 = arith.constant 208 : index
    %swap3A_130 = tpu.vector_load %arg6[%swap3A_129] {strides = array<i32>} : memref<4096xi32, #tpu.memory_space<vmem>>, vector<16xi32>,
    %swap3A_131 = vector.shape_cast %swap3A_130 : vector<16xi32> to vector<16xi32>
    %swap3A_132 = vector.shape_cast %add3A_128 : vector<16xi32> to vector<16xi32>
    tpu.vector_store %arg6[%swap3A_129], %swap3A_132 {strides = array<i32>} : memref<4096xi32, #tpu.memory_space<vmem>>, vector<16xi32>,
    %get3A_133 = arith.constant 224 : index
    %get3A_134 = tpu.vector_load %arg5[%get3A_133] {strides = array<i32>} : memref<4096xi32, #tpu.memory_space<vmem>>, vector<16xi32>,
    %get3A_135 = vector.shape_cast %get3A_134 : vector<16xi32> to vector<16xi32>
    %add3A_136 = vector.broadcast %mul3A_2 : i32 to vector<16xi32>
    %add3A_137 = arith.addi %get3A_135, %add3A_136 : vector<16xi32>
    %swap3A_138 = arith.constant 224 : index
    %swap3A_139 = tpu.vector_load %arg6[%swap3A_138] {strides = array<i32>} : memref<4096xi32, #tpu.memory_space<vmem>>, vector<16xi32>,
    %swap3A_140 = vector.shape_cast %swap3A_139 : vector<16xi32> to vector<16xi32>
    %swap3A_141 = vector.shape_cast %add3A_137 : vector<16xi32> to vector<16xi32>
    tpu.vector_store %arg6[%swap3A_138], %swap3A_141 {strides = array<i32>} : memref<4096xi32, #tpu.memory_space<vmem>>, vector<16xi32>,
    %get3A_142 = arith.constant 240 : index
    %get3A_143 = tpu.vector_load %arg5[%get3A_142] {strides = array<i32>} : memref<4096xi32, #tpu.memory_space<vmem>>, vector<16xi32>,
    %get3A_144 = vector.shape_cast %get3A_143 : vector<16xi32> to vector<16xi32>
    %add3A_145 = vector.broadcast %mul3A_2 : i32 to vector<16xi32>
    %add3A_146 = arith.addi %get3A_144, %add3A_145 : vector<16xi32>
    %swap3A_147 = arith.constant 240 : index
    %swap3A_148 = tpu.vector_load %arg6[%swap3A_147] {strides = array<i32>} : memref<4096xi32, #tpu.memory_space<vmem>>, vector<16xi32>,
    %swap3A_149 = vector.shape_cast %swap3A_148 : vector<16xi32> to vector<16xi32>
    %swap3A_150 = vector.shape_cast %add3A_146 : vector<16xi32> to vector<16xi32>
    tpu.vector_store %arg6[%swap3A_147], %swap3A_150 {strides = array<i32>} : memref<4096xi32, #tpu.memory_space<vmem>>, vector<16xi32>,
    %dma_start3A_151 = arith.constant 128 : i32
    %dma_start3A_152 = tpu.memref_slice %arg6[%dma_start3A_151] : memref<4096xi32, #tpu.memory_space<vmem>> -> memref<128xi32, #tpu.memory_space<vmem>>
    %dma_start3A_153 = arith.constant 0 : i32
    %dma_start3A_154 = arith.constant 0 : i32
    %dma_start3A_155 = tpu.memref_slice %arg2[%dma_start3A_153, %dma_start3A_154] : memref<262144x128xf32, #tpu.memory_space<hbm>> -> memref<262144x128xf32, #tpu.memory_space<hbm>>
    tpu.enqueue_indirect_dma source(%dma_start3A_155 : memref<262144x128xf32, #tpu.memory_space<hbm>>) target(%arg8 : memref<128x128xf32, #tpu.memory_space<vmem>>) offsets(%dma_start3A_152 : memref<128xi32, #tpu.memory_space<vmem>>) semaphore(%arg12 : memref<!tpu.dma_semaphore, #tpu.memory_space<semaphore_mem>>)
    %get3A_156 = arith.constant 256 : index
    %get3A_157 = tpu.vector_load %arg5[%get3A_156] {strides = array<i32>} : memref<4096xi32, #tpu.memory_space<vmem>>, vector<16xi32>,
    %get3A_158 = vector.shape_cast %get3A_157 : vector<16xi32> to vector<16xi32>
    %add3A_159 = vector.broadcast %mul3A_2 : i32 to vector<16xi32>
    %add3A_160 = arith.addi %get3A_158, %add3A_159 : vector<16xi32>
    %swap3A_161 = arith.constant 256 : index
    %swap3A_162 = tpu.vector_load %arg6[%swap3A_161] {strides = array<i32>} : memref<4096xi32, #tpu.memory_space<vmem>>, vector<16xi32>,
    %swap3A_163 = vector.shape_cast %swap3A_162 : vector<16xi32> to vector<16xi32>
    %swap3A_164 = vector.shape_cast %add3A_160 : vector<16xi32> to vector<16xi32>
    tpu.vector_store %arg6[%swap3A_161], %swap3A_164 {strides = array<i32>} : memref<4096xi32, #tpu.memory_space<vmem>>, vector<16xi32>,
    %get3A_165 = arith.constant 272 : index
    %get3A_166 = tpu.vector_load %arg5[%get3A_165] {strides = array<i32>} : memref<4096xi32, #tpu.memory_space<vmem>>, vector<16xi32>,
    %get3A_167 = vector.shape_cast %get3A_166 : vector<16xi32> to vector<16xi32>
    %add3A_168 = vector.broadcast %mul3A_2 : i32 to vector<16xi32>
    %add3A_169 = arith.addi %get3A_167, %add3A_168 : vector<16xi32>
    %swap3A_170 = arith.constant 272 : index
    %swap3A_171 = tpu.vector_load %arg6[%swap3A_170] {strides = array<i32>} : memref<4096xi32, #tpu.memory_space<vmem>>, vector<16xi32>,
    %swap3A_172 = vector.shape_cast %swap3A_171 : vector<16xi32> to vector<16xi32>
    %swap3A_173 = vector.shape_cast %add3A_169 : vector<16xi32> to vector<16xi32>
    tpu.vector_store %arg6[%swap3A_170], %swap3A_173 {strides = array<i32>} : memref<4096xi32, #tpu.memory_space<vmem>>, vector<16xi32>,
    %get3A_174 = arith.constant 288 : index
    %get3A_175 = tpu.vector_load %arg5[%get3A_174] {strides = array<i32>} : memref<4096xi32, #tpu.memory_space<vmem>>, vector<16xi32>,
    %get3A_176 = vector.shape_cast %get3A_175 : vector<16xi32> to vector<16xi32>
    %add3A_177 = vector.broadcast %mul3A_2 : i32 to vector<16xi32>
    %add3A_178 = arith.addi %get3A_176, %add3A_177 : vector<16xi32>
    %swap3A_179 = arith.constant 288 : index
    %swap3A_180 = tpu.vector_load %arg6[%swap3A_179] {strides = array<i32>} : memref<4096xi32, #tpu.memory_space<vmem>>, vector<16xi32>,
    %swap3A_181 = vector.shape_cast %swap3A_180 : vector<16xi32> to vector<16xi32>
    %swap3A_182 = vector.shape_cast %add3A_178 : vector<16xi32> to vector<16xi32>
    tpu.vector_store %arg6[%swap3A_179], %swap3A_182 {strides = array<i32>} : memref<4096xi32, #tpu.memory_space<vmem>>, vector<16xi32>,
    %get3A_183 = arith.constant 304 : index
    %get3A_184 = tpu.vector_load %arg5[%get3A_183] {strides = array<i32>} : memref<4096xi32, #tpu.memory_space<vmem>>, vector<16xi32>,
    %get3A_185 = vector.shape_cast %get3A_184 : vector<16xi32> to vector<16xi32>
    %add3A_186 = vector.broadcast %mul3A_2 : i32 to vector<16xi32>
    %add3A_187 = arith.addi %get3A_185, %add3A_186 : vector<16xi32>
    %swap3A_188 = arith.constant 304 : index
    %swap3A_189 = tpu.vector_load %arg6[%swap3A_188] {strides = array<i32>} : memref<4096xi32, #tpu.memory_space<vmem>>, vector<16xi32>,
    %swap3A_190 = vector.shape_cast %swap3A_189 : vector<16xi32> to vector<16xi32>
    %swap3A_191 = vector.shape_cast %add3A_187 : vector<16xi32> to vector<16xi32>
    tpu.vector_store %arg6[%swap3A_188], %swap3A_191 {strides = array<i32>} : memref<4096xi32, #tpu.memory_space<vmem>>, vector<16xi32>,
    %get3A_192 = arith.constant 320 : index
    %get3A_193 = tpu.vector_load %arg5[%get3A_192] {strides = array<i32>} : memref<4096xi32, #tpu.memory_space<vmem>>, vector<16xi32>,
    %get3A_194 = vector.shape_cast %get3A_193 : vector<16xi32> to vector<16xi32>
    %add3A_195 = vector.broadcast %mul3A_2 : i32 to vector<16xi32>
    %add3A_196 = arith.addi %get3A_194, %add3A_195 : vector<16xi32>
    %swap3A_197 = arith.constant 320 : index
    %swap3A_198 = tpu.vector_load %arg6[%swap3A_197] {strides = array<i32>} : memref<4096xi32, #tpu.memory_space<vmem>>, vector<16xi32>,
    %swap3A_199 = vector.shape_cast %swap3A_198 : vector<16xi32> to vector<16xi32>
    %swap3A_200 = vector.shape_cast %add3A_196 : vector<16xi32> to vector<16xi32>
    tpu.vector_store %arg6[%swap3A_197], %swap3A_200 {strides = array<i32>} : memref<4096xi32, #tpu.memory_space<vmem>>, vector<16xi32>,
    %get3A_201 = arith.constant 336 : index
    %get3A_202 = tpu.vector_load %arg5[%get3A_201] {strides = array<i32>} : memref<4096xi32, #tpu.memory_space<vmem>>, vector<16xi32>,
    %get3A_203 = vector.shape_cast %get3A_202 : vector<16xi32> to vector<16xi32>
    %add3A_204 = vector.broadcast %mul3A_2 : i32 to vector<16xi32>
    %add3A_205 = arith.addi %get3A_203, %add3A_204 : vector<16xi32>
    %swap3A_206 = arith.constant 336 : index
    %swap3A_207 = tpu.vector_load %arg6[%swap3A_206] {strides = array<i32>} : memref<4096xi32, #tpu.memory_space<vmem>>, vector<16xi32>,
    %swap3A_208 = vector.shape_cast %swap3A_207 : vector<16xi32> to vector<16xi32>
    %swap3A_209 = vector.shape_cast %add3A_205 : vector<16xi32> to vector<16xi32>
    tpu.vector_store %arg6[%swap3A_206], %swap3A_209 {strides = array<i32>} : memref<4096xi32, #tpu.memory_space<vmem>>, vector<16xi32>,
    %get3A_210 = arith.constant 352 : index
    %get3A_211 = tpu.vector_load %arg5[%get3A_210] {strides = array<i32>} : memref<4096xi32, #tpu.memory_space<vmem>>, vector<16xi32>,
    %get3A_212 = vector.shape_cast %get3A_211 : vector<16xi32> to vector<16xi32>
    %add3A_213 = vector.broadcast %mul3A_2 : i32 to vector<16xi32>
    %add3A_214 = arith.addi %get3A_212, %add3A_213 : vector<16xi32>
    %swap3A_215 = arith.constant 352 : index
    %swap3A_216 = tpu.vector_load %arg6[%swap3A_215] {strides = array<i32>} : memref<4096xi32, #tpu.memory_space<vmem>>, vector<16xi32>,
    %swap3A_217 = vector.shape_cast %swap3A_216 : vector<16xi32> to vector<16xi32>
    %swap3A_218 = vector.shape_cast %add3A_214 : vector<16xi32> to vector<16xi32>
    tpu.vector_store %arg6[%swap3A_215], %swap3A_218 {strides = array<i32>} : memref<4096xi32, #tpu.memory_space<vmem>>, vector<16xi32>,
    %get3A_219 = arith.constant 368 : index
    %get3A_220 = tpu.vector_load %arg5[%get3A_219] {strides = array<i32>} : memref<4096xi32, #tpu.memory_space<vmem>>, vector<16xi32>,
    %get3A_221 = vector.shape_cast %get3A_220 : vector<16xi32> to vector<16xi32>
    %add3A_222 = vector.broadcast %mul3A_2 : i32 to vector<16xi32>
    %add3A_223 = arith.addi %get3A_221, %add3A_222 : vector<16xi32>
    %swap3A_224 = arith.constant 368 : index
    %swap3A_225 = tpu.vector_load %arg6[%swap3A_224] {strides = array<i32>} : memref<4096xi32, #tpu.memory_space<vmem>>, vector<16xi32>,
    %swap3A_226 = vector.shape_cast %swap3A_225 : vector<16xi32> to vector<16xi32>
    %swap3A_227 = vector.shape_cast %add3A_223 : vector<16xi32> to vector<16xi32>
    tpu.vector_store %arg6[%swap3A_224], %swap3A_227 {strides = array<i32>} : memref<4096xi32, #tpu.memory_space<vmem>>, vector<16xi32>,
    %dma_start3A_228 = arith.constant 256 : i32
    %dma_start3A_229 = tpu.memref_slice %arg6[%dma_start3A_228] : memref<4096xi32, #tpu.memory_space<vmem>> -> memref<128xi32, #tpu.memory_space<vmem>>
    %dma_start3A_230 = arith.constant 0 : i32
    %dma_start3A_231 = arith.constant 0 : i32
    %dma_start3A_232 = tpu.memref_slice %arg2[%dma_start3A_230, %dma_start3A_231] : memref<262144x128xf32, #tpu.memory_space<hbm>> -> memref<262144x128xf32, #tpu.memory_space<hbm>>
    tpu.enqueue_indirect_dma source(%dma_start3A_232 : memref<262144x128xf32, #tpu.memory_space<hbm>>) target(%arg9 : memref<128x128xf32, #tpu.memory_space<vmem>>) offsets(%dma_start3A_229 : memref<128xi32, #tpu.memory_space<vmem>>) semaphore(%arg13 : memref<!tpu.dma_semaphore, #tpu.memory_space<semaphore_mem>>)
    %scan3A = arith.constant 0 : i32
    %scan3A_233 = arith.constant 0 : i32
    %scan3A_234 = arith.constant 8 : i32
    %scan3A_235 = arith.addi %scan3A_233, %scan3A_234 : i32
    %scan3A_236 = arith.constant 1 : i32
    scf.for %scan3A_241 = %scan3A_233 to %scan3A_235 step %scan3A_236  : i32 {
      %mul3A_242 = arith.constant 4 : i32
      %mul3A_243 = arith.muli %scan3A_241, %mul3A_242 : i32
      %add3A_244 = arith.constant 0 : i32
      %add3A_245 = arith.addi %mul3A_243, %add3A_244 : i32
      %dma_wait3A_246 = arith.constant 0 : i32
      %dma_wait3A_247 = tpu.memref_slice %arg6[%dma_wait3A_246] : memref<4096xi32, #tpu.memory_space<vmem>> -> memref<128xi32, #tpu.memory_space<vmem>>
      %dma_wait3A_248 = arith.constant 0 : i32
      %dma_wait3A_249 = arith.constant 0 : i32
      %dma_wait3A_250 = tpu.memref_slice %arg2[%dma_wait3A_248, %dma_wait3A_249] : memref<262144x128xf32, #tpu.memory_space<hbm>> -> memref<262144x128xf32, #tpu.memory_space<hbm>>
      tpu.wait_indirect_dma semaphore(%arg11 : memref<!tpu.dma_semaphore, #tpu.memory_space<semaphore_mem>>) src(%dma_wait3A_250 : memref<262144x128xf32, #tpu.memory_space<hbm>>) dst(%arg7 : memref<128x128xf32, #tpu.memory_space<vmem>>)
      %mul3A_251 = arith.constant 128 : i32
      %mul3A_252 = arith.muli %add3A_245, %mul3A_251 : i32
      %add3A_253 = arith.addi %mul3A_4, %mul3A_252 : i32
      %dma_start3A_254 = arith.constant 0 : i32
      %dma_start3A_255 = tpu.memref_slice %arg4[%add3A_253, %dma_start3A_254] : memref<131072x128xf32, #tpu.memory_space<hbm>> -> memref<128x128xf32, #tpu.memory_space<hbm>>
      %dma_start3A_256 = arith.constant 0 : i32
      %dma_start3A_257 = tpu.memref_slice %arg4[%add3A_253, %dma_start3A_256] : memref<131072x128xf32, #tpu.memory_space<hbm>> -> memref<128x128xf32, #tpu.memory_space<hbm>>
      tpu.enqueue_dma source(%arg7 : memref<128x128xf32, #tpu.memory_space<vmem>>) target(%dma_start3A_257 : memref<128x128xf32, #tpu.memory_space<hbm>>) target_semaphore(%arg15 : memref<!tpu.dma_semaphore, #tpu.memory_space<semaphore_mem>>)
      %ge3A = arith.constant 1 : i32
      %ge3A_258 = arith.cmpi sge, %add3A_245, %ge3A : i32
      %convert_element_type3A = arith.extui %ge3A_258 : i1 to i32
      %cond3A = arith.constant 0 : i32
      %cond3A_259 = arith.cmpi ne, %convert_element_type3A, %cond3A : i32
      scf.if %cond3A_259 {
        %dma_wait3A_351 = arith.constant 0 : i32
        %dma_wait3A_352 = tpu.memref_slice %arg4[%mul3A_4, %dma_wait3A_351] : memref<131072x128xf32, #tpu.memory_space<hbm>> -> memref<128x128xf32, #tpu.memory_space<hbm>>
        %dma_wait3A_353 = arith.constant 0 : i32
        %dma_wait3A_354 = tpu.memref_slice %arg4[%mul3A_4, %dma_wait3A_353] : memref<131072x128xf32, #tpu.memory_space<hbm>> -> memref<128x128xf32, #tpu.memory_space<hbm>>
        tpu.wait_dma2 semaphore(%arg18 : memref<!tpu.dma_semaphore, #tpu.memory_space<semaphore_mem>>) src(%arg10 : memref<128x128xf32, #tpu.memory_space<vmem>>) dst(%dma_wait3A_354 : memref<128x128xf32, #tpu.memory_space<hbm>>)
      } else {
      }
      %add3A_260 = arith.constant 4 : i32
      %add3A_261 = arith.addi %add3A_245, %add3A_260 : i32
      %sub3A = arith.constant 1 : i32
      %sub3A_262 = arith.subi %add3A_261, %sub3A : i32
      %lt3A = arith.constant 32 : i32
      %lt3A_263 = arith.cmpi slt, %sub3A_262, %lt3A : i32
      %convert_element_type3A_264 = arith.extui %lt3A_263 : i1 to i32
      %cond3A_265 = arith.constant 0 : i32
      %cond3A_266 = arith.cmpi ne, %convert_element_type3A_264, %cond3A_265 : i32
      scf.if %cond3A_266 {
        %add3A_351 = arith.constant 4 : i32
        %add3A_352 = arith.addi %add3A_245, %add3A_351 : i32
        %sub3A_353 = arith.constant 1 : i32
        %sub3A_354 = arith.subi %add3A_352, %sub3A_353 : i32
        %mul3A_355 = arith.constant 128 : i32
        %mul3A_356 = arith.muli %sub3A_354, %mul3A_355 : i32
        %add3A_357 = arith.constant 0 : i32
        %add3A_358 = arith.addi %mul3A_356, %add3A_357 : i32
        %get3A_359 = arith.index_cast %add3A_358 : i32 to index
        %get3A_360 = tpu.vector_load %arg5[%get3A_359] {strides = array<i32>} : memref<4096xi32, #tpu.memory_space<vmem>>, vector<16xi32>,
        %get3A_361 = vector.shape_cast %get3A_360 : vector<16xi32> to vector<16xi32>
        %add3A_362 = vector.broadcast %mul3A_2 : i32 to vector<16xi32>
        %add3A_363 = arith.addi %get3A_361, %add3A_362 : vector<16xi32>
        %swap3A_364 = arith.index_cast %add3A_358 : i32 to index
        %swap3A_365 = tpu.vector_load %arg6[%swap3A_364] {strides = array<i32>} : memref<4096xi32, #tpu.memory_space<vmem>>, vector<16xi32>,
        %swap3A_366 = vector.shape_cast %swap3A_365 : vector<16xi32> to vector<16xi32>
        %swap3A_367 = vector.shape_cast %add3A_363 : vector<16xi32> to vector<16xi32>
        tpu.vector_store %arg6[%swap3A_364], %swap3A_367 {strides = array<i32>} : memref<4096xi32, #tpu.memory_space<vmem>>, vector<16xi32>,
        %mul3A_368 = arith.constant 128 : i32
        %mul3A_369 = arith.muli %sub3A_354, %mul3A_368 : i32
        %add3A_370 = arith.constant 16 : i32
        %add3A_371 = arith.addi %mul3A_369, %add3A_370 : i32
        %get3A_372 = arith.index_cast %add3A_371 : i32 to index
        %get3A_373 = tpu.vector_load %arg5[%get3A_372] {strides = array<i32>} : memref<4096xi32, #tpu.memory_space<vmem>>, vector<16xi32>,
        %get3A_374 = vector.shape_cast %get3A_373 : vector<16xi32> to vector<16xi32>
        %add3A_375 = vector.broadcast %mul3A_2 : i32 to vector<16xi32>
        %add3A_376 = arith.addi %get3A_374, %add3A_375 : vector<16xi32>
        %swap3A_377 = arith.index_cast %add3A_371 : i32 to index
        %swap3A_378 = tpu.vector_load %arg6[%swap3A_377] {strides = array<i32>} : memref<4096xi32, #tpu.memory_space<vmem>>, vector<16xi32>,
        %swap3A_379 = vector.shape_cast %swap3A_378 : vector<16xi32> to vector<16xi32>
        %swap3A_380 = vector.shape_cast %add3A_376 : vector<16xi32> to vector<16xi32>
        tpu.vector_store %arg6[%swap3A_377], %swap3A_380 {strides = array<i32>} : memref<4096xi32, #tpu.memory_space<vmem>>, vector<16xi32>,
        %mul3A_381 = arith.constant 128 : i32
        %mul3A_382 = arith.muli %sub3A_354, %mul3A_381 : i32
        %add3A_383 = arith.constant 32 : i32
        %add3A_384 = arith.addi %mul3A_382, %add3A_383 : i32
        %get3A_385 = arith.index_cast %add3A_384 : i32 to index
        %get3A_386 = tpu.vector_load %arg5[%get3A_385] {strides = array<i32>} : memref<4096xi32, #tpu.memory_space<vmem>>, vector<16xi32>,
        %get3A_387 = vector.shape_cast %get3A_386 : vector<16xi32> to vector<16xi32>
        %add3A_388 = vector.broadcast %mul3A_2 : i32 to vector<16xi32>
        %add3A_389 = arith.addi %get3A_387, %add3A_388 : vector<16xi32>
        %swap3A_390 = arith.index_cast %add3A_384 : i32 to index
        %swap3A_391 = tpu.vector_load %arg6[%swap3A_390] {strides = array<i32>} : memref<4096xi32, #tpu.memory_space<vmem>>, vector<16xi32>,
        %swap3A_392 = vector.shape_cast %swap3A_391 : vector<16xi32> to vector<16xi32>
        %swap3A_393 = vector.shape_cast %add3A_389 : vector<16xi32> to vector<16xi32>
        tpu.vector_store %arg6[%swap3A_390], %swap3A_393 {strides = array<i32>} : memref<4096xi32, #tpu.memory_space<vmem>>, vector<16xi32>,
        %mul3A_394 = arith.constant 128 : i32
        %mul3A_395 = arith.muli %sub3A_354, %mul3A_394 : i32
        %add3A_396 = arith.constant 48 : i32
        %add3A_397 = arith.addi %mul3A_395, %add3A_396 : i32
        %get3A_398 = arith.index_cast %add3A_397 : i32 to index
        %get3A_399 = tpu.vector_load %arg5[%get3A_398] {strides = array<i32>} : memref<4096xi32, #tpu.memory_space<vmem>>, vector<16xi32>,
        %get3A_400 = vector.shape_cast %get3A_399 : vector<16xi32> to vector<16xi32>
        %add3A_401 = vector.broadcast %mul3A_2 : i32 to vector<16xi32>
        %add3A_402 = arith.addi %get3A_400, %add3A_401 : vector<16xi32>
        %swap3A_403 = arith.index_cast %add3A_397 : i32 to index
        %swap3A_404 = tpu.vector_load %arg6[%swap3A_403] {strides = array<i32>} : memref<4096xi32, #tpu.memory_space<vmem>>, vector<16xi32>,
        %swap3A_405 = vector.shape_cast %swap3A_404 : vector<16xi32> to vector<16xi32>
        %swap3A_406 = vector.shape_cast %add3A_402 : vector<16xi32> to vector<16xi32>
        tpu.vector_store %arg6[%swap3A_403], %swap3A_406 {strides = array<i32>} : memref<4096xi32, #tpu.memory_space<vmem>>, vector<16xi32>,
        %mul3A_407 = arith.constant 128 : i32
        %mul3A_408 = arith.muli %sub3A_354, %mul3A_407 : i32
        %add3A_409 = arith.constant 64 : i32
        %add3A_410 = arith.addi %mul3A_408, %add3A_409 : i32
        %get3A_411 = arith.index_cast %add3A_410 : i32 to index
        %get3A_412 = tpu.vector_load %arg5[%get3A_411] {strides = array<i32>} : memref<4096xi32, #tpu.memory_space<vmem>>, vector<16xi32>,
        %get3A_413 = vector.shape_cast %get3A_412 : vector<16xi32> to vector<16xi32>
        %add3A_414 = vector.broadcast %mul3A_2 : i32 to vector<16xi32>
        %add3A_415 = arith.addi %get3A_413, %add3A_414 : vector<16xi32>
        %swap3A_416 = arith.index_cast %add3A_410 : i32 to index
        %swap3A_417 = tpu.vector_load %arg6[%swap3A_416] {strides = array<i32>} : memref<4096xi32, #tpu.memory_space<vmem>>, vector<16xi32>,
        %swap3A_418 = vector.shape_cast %swap3A_417 : vector<16xi32> to vector<16xi32>
        %swap3A_419 = vector.shape_cast %add3A_415 : vector<16xi32> to vector<16xi32>
        tpu.vector_store %arg6[%swap3A_416], %swap3A_419 {strides = array<i32>} : memref<4096xi32, #tpu.memory_space<vmem>>, vector<16xi32>,
        %mul3A_420 = arith.constant 128 : i32
        %mul3A_421 = arith.muli %sub3A_354, %mul3A_420 : i32
        %add3A_422 = arith.constant 80 : i32
        %add3A_423 = arith.addi %mul3A_421, %add3A_422 : i32
        %get3A_424 = arith.index_cast %add3A_423 : i32 to index
        %get3A_425 = tpu.vector_load %arg5[%get3A_424] {strides = array<i32>} : memref<4096xi32, #tpu.memory_space<vmem>>, vector<16xi32>,
        %get3A_426 = vector.shape_cast %get3A_425 : vector<16xi32> to vector<16xi32>
        %add3A_427 = vector.broadcast %mul3A_2 : i32 to vector<16xi32>
        %add3A_428 = arith.addi %get3A_426, %add3A_427 : vector<16xi32>
        %swap3A_429 = arith.index_cast %add3A_423 : i32 to index
        %swap3A_430 = tpu.vector_load %arg6[%swap3A_429] {strides = array<i32>} : memref<4096xi32, #tpu.memory_space<vmem>>, vector<16xi32>,
        %swap3A_431 = vector.shape_cast %swap3A_430 : vector<16xi32> to vector<16xi32>
        %swap3A_432 = vector.shape_cast %add3A_428 : vector<16xi32> to vector<16xi32>
        tpu.vector_store %arg6[%swap3A_429], %swap3A_432 {strides = array<i32>} : memref<4096xi32, #tpu.memory_space<vmem>>, vector<16xi32>,
        %mul3A_433 = arith.constant 128 : i32
        %mul3A_434 = arith.muli %sub3A_354, %mul3A_433 : i32
        %add3A_435 = arith.constant 96 : i32
        %add3A_436 = arith.addi %mul3A_434, %add3A_435 : i32
        %get3A_437 = arith.index_cast %add3A_436 : i32 to index
        %get3A_438 = tpu.vector_load %arg5[%get3A_437] {strides = array<i32>} : memref<4096xi32, #tpu.memory_space<vmem>>, vector<16xi32>,
        %get3A_439 = vector.shape_cast %get3A_438 : vector<16xi32> to vector<16xi32>
        %add3A_440 = vector.broadcast %mul3A_2 : i32 to vector<16xi32>
        %add3A_441 = arith.addi %get3A_439, %add3A_440 : vector<16xi32>
        %swap3A_442 = arith.index_cast %add3A_436 : i32 to index
        %swap3A_443 = tpu.vector_load %arg6[%swap3A_442] {strides = array<i32>} : memref<4096xi32, #tpu.memory_space<vmem>>, vector<16xi32>,
        %swap3A_444 = vector.shape_cast %swap3A_443 : vector<16xi32> to vector<16xi32>
        %swap3A_445 = vector.shape_cast %add3A_441 : vector<16xi32> to vector<16xi32>
        tpu.vector_store %arg6[%swap3A_442], %swap3A_445 {strides = array<i32>} : memref<4096xi32, #tpu.memory_space<vmem>>, vector<16xi32>,
        %mul3A_446 = arith.constant 128 : i32
        %mul3A_447 = arith.muli %sub3A_354, %mul3A_446 : i32
        %add3A_448 = arith.constant 112 : i32
        %add3A_449 = arith.addi %mul3A_447, %add3A_448 : i32
        %get3A_450 = arith.index_cast %add3A_449 : i32 to index
        %get3A_451 = tpu.vector_load %arg5[%get3A_450] {strides = array<i32>} : memref<4096xi32, #tpu.memory_space<vmem>>, vector<16xi32>,
        %get3A_452 = vector.shape_cast %get3A_451 : vector<16xi32> to vector<16xi32>
        %add3A_453 = vector.broadcast %mul3A_2 : i32 to vector<16xi32>
        %add3A_454 = arith.addi %get3A_452, %add3A_453 : vector<16xi32>
        %swap3A_455 = arith.index_cast %add3A_449 : i32 to index
        %swap3A_456 = tpu.vector_load %arg6[%swap3A_455] {strides = array<i32>} : memref<4096xi32, #tpu.memory_space<vmem>>, vector<16xi32>,
        %swap3A_457 = vector.shape_cast %swap3A_456 : vector<16xi32> to vector<16xi32>
        %swap3A_458 = vector.shape_cast %add3A_454 : vector<16xi32> to vector<16xi32>
        tpu.vector_store %arg6[%swap3A_455], %swap3A_458 {strides = array<i32>} : memref<4096xi32, #tpu.memory_space<vmem>>, vector<16xi32>,
        %add3A_459 = arith.constant 4 : i32
        %add3A_460 = arith.addi %add3A_245, %add3A_459 : i32
        %sub3A_461 = arith.constant 1 : i32
        %sub3A_462 = arith.subi %add3A_460, %sub3A_461 : i32
        %mul3A_463 = arith.constant 128 : i32
        %mul3A_464 = arith.muli %sub3A_462, %mul3A_463 : i32
        %dma_start3A_465 = tpu.memref_slice %arg6[%mul3A_464] : memref<4096xi32, #tpu.memory_space<vmem>> -> memref<128xi32, #tpu.memory_space<vmem>>
        %dma_start3A_466 = arith.constant 0 : i32
        %dma_start3A_467 = arith.constant 0 : i32
        %dma_start3A_468 = tpu.memref_slice %arg2[%dma_start3A_466, %dma_start3A_467] : memref<262144x128xf32, #tpu.memory_space<hbm>> -> memref<262144x128xf32, #tpu.memory_space<hbm>>
        tpu.enqueue_indirect_dma source(%dma_start3A_468 : memref<262144x128xf32, #tpu.memory_space<hbm>>) target(%arg10 : memref<128x128xf32, #tpu.memory_space<vmem>>) offsets(%dma_start3A_465 : memref<128xi32, #tpu.memory_space<vmem>>) semaphore(%arg14 : memref<!tpu.dma_semaphore, #tpu.memory_space<semaphore_mem>>)
      } else {
      }
      %add3A_267 = arith.constant 1 : i32
      %add3A_268 = arith.addi %mul3A_243, %add3A_267 : i32
      %dma_wait3A_269 = arith.constant 0 : i32
      %dma_wait3A_270 = tpu.memref_slice %arg6[%dma_wait3A_269] : memref<4096xi32, #tpu.memory_space<vmem>> -> memref<128xi32, #tpu.memory_space<vmem>>
      %dma_wait3A_271 = arith.constant 0 : i32
      %dma_wait3A_272 = arith.constant 0 : i32
      %dma_wait3A_273 = tpu.memref_slice %arg2[%dma_wait3A_271, %dma_wait3A_272] : memref<262144x128xf32, #tpu.memory_space<hbm>> -> memref<262144x128xf32, #tpu.memory_space<hbm>>
      tpu.wait_indirect_dma semaphore(%arg12 : memref<!tpu.dma_semaphore, #tpu.memory_space<semaphore_mem>>) src(%dma_wait3A_273 : memref<262144x128xf32, #tpu.memory_space<hbm>>) dst(%arg8 : memref<128x128xf32, #tpu.memory_space<vmem>>)
      %mul3A_274 = arith.constant 128 : i32
      %mul3A_275 = arith.muli %add3A_268, %mul3A_274 : i32
      %add3A_276 = arith.addi %mul3A_4, %mul3A_275 : i32
      %dma_start3A_277 = arith.constant 0 : i32
      %dma_start3A_278 = tpu.memref_slice %arg4[%add3A_276, %dma_start3A_277] : memref<131072x128xf32, #tpu.memory_space<hbm>> -> memref<128x128xf32, #tpu.memory_space<hbm>>
      %dma_start3A_279 = arith.constant 0 : i32
      %dma_start3A_280 = tpu.memref_slice %arg4[%add3A_276, %dma_start3A_279] : memref<131072x128xf32, #tpu.memory_space<hbm>> -> memref<128x128xf32, #tpu.memory_space<hbm>>
      tpu.enqueue_dma source(%arg8 : memref<128x128xf32, #tpu.memory_space<vmem>>) target(%dma_start3A_280 : memref<128x128xf32, #tpu.memory_space<hbm>>) target_semaphore(%arg16 : memref<!tpu.dma_semaphore, #tpu.memory_space<semaphore_mem>>)
      %ge3A_281 = arith.constant 1 : i32
      %ge3A_282 = arith.cmpi sge, %add3A_268, %ge3A_281 : i32
      %convert_element_type3A_283 = arith.extui %ge3A_282 : i1 to i32
      %cond3A_284 = arith.constant 0 : i32
      %cond3A_285 = arith.cmpi ne, %convert_element_type3A_283, %cond3A_284 : i32
      scf.if %cond3A_285 {
        %dma_wait3A_351 = arith.constant 0 : i32
        %dma_wait3A_352 = tpu.memref_slice %arg4[%mul3A_4, %dma_wait3A_351] : memref<131072x128xf32, #tpu.memory_space<hbm>> -> memref<128x128xf32, #tpu.memory_space<hbm>>
        %dma_wait3A_353 = arith.constant 0 : i32
        %dma_wait3A_354 = tpu.memref_slice %arg4[%mul3A_4, %dma_wait3A_353] : memref<131072x128xf32, #tpu.memory_space<hbm>> -> memref<128x128xf32, #tpu.memory_space<hbm>>
        tpu.wait_dma2 semaphore(%arg15 : memref<!tpu.dma_semaphore, #tpu.memory_space<semaphore_mem>>) src(%arg7 : memref<128x128xf32, #tpu.memory_space<vmem>>) dst(%dma_wait3A_354 : memref<128x128xf32, #tpu.memory_space<hbm>>)
      } else {
      }
      %add3A_286 = arith.constant 4 : i32
      %add3A_287 = arith.addi %add3A_268, %add3A_286 : i32
      %sub3A_288 = arith.constant 1 : i32
      %sub3A_289 = arith.subi %add3A_287, %sub3A_288 : i32
      %lt3A_290 = arith.constant 32 : i32
      %lt3A_291 = arith.cmpi slt, %sub3A_289, %lt3A_290 : i32
      %convert_element_type3A_292 = arith.extui %lt3A_291 : i1 to i32
      %cond3A_293 = arith.constant 0 : i32
      %cond3A_294 = arith.cmpi ne, %convert_element_type3A_292, %cond3A_293 : i32
      scf.if %cond3A_294 {
        %add3A_351 = arith.constant 4 : i32
        %add3A_352 = arith.addi %add3A_268, %add3A_351 : i32
        %sub3A_353 = arith.constant 1 : i32
        %sub3A_354 = arith.subi %add3A_352, %sub3A_353 : i32
        %mul3A_355 = arith.constant 128 : i32
        %mul3A_356 = arith.muli %sub3A_354, %mul3A_355 : i32
        %add3A_357 = arith.constant 0 : i32
        %add3A_358 = arith.addi %mul3A_356, %add3A_357 : i32
        %get3A_359 = arith.index_cast %add3A_358 : i32 to index
        %get3A_360 = tpu.vector_load %arg5[%get3A_359] {strides = array<i32>} : memref<4096xi32, #tpu.memory_space<vmem>>, vector<16xi32>,
        %get3A_361 = vector.shape_cast %get3A_360 : vector<16xi32> to vector<16xi32>
        %add3A_362 = vector.broadcast %mul3A_2 : i32 to vector<16xi32>
        %add3A_363 = arith.addi %get3A_361, %add3A_362 : vector<16xi32>
        %swap3A_364 = arith.index_cast %add3A_358 : i32 to index
        %swap3A_365 = tpu.vector_load %arg6[%swap3A_364] {strides = array<i32>} : memref<4096xi32, #tpu.memory_space<vmem>>, vector<16xi32>,
        %swap3A_366 = vector.shape_cast %swap3A_365 : vector<16xi32> to vector<16xi32>
        %swap3A_367 = vector.shape_cast %add3A_363 : vector<16xi32> to vector<16xi32>
        tpu.vector_store %arg6[%swap3A_364], %swap3A_367 {strides = array<i32>} : memref<4096xi32, #tpu.memory_space<vmem>>, vector<16xi32>,
        %mul3A_368 = arith.constant 128 : i32
        %mul3A_369 = arith.muli %sub3A_354, %mul3A_368 : i32
        %add3A_370 = arith.constant 16 : i32
        %add3A_371 = arith.addi %mul3A_369, %add3A_370 : i32
        %get3A_372 = arith.index_cast %add3A_371 : i32 to index
        %get3A_373 = tpu.vector_load %arg5[%get3A_372] {strides = array<i32>} : memref<4096xi32, #tpu.memory_space<vmem>>, vector<16xi32>,
        %get3A_374 = vector.shape_cast %get3A_373 : vector<16xi32> to vector<16xi32>
        %add3A_375 = vector.broadcast %mul3A_2 : i32 to vector<16xi32>
        %add3A_376 = arith.addi %get3A_374, %add3A_375 : vector<16xi32>
        %swap3A_377 = arith.index_cast %add3A_371 : i32 to index
        %swap3A_378 = tpu.vector_load %arg6[%swap3A_377] {strides = array<i32>} : memref<4096xi32, #tpu.memory_space<vmem>>, vector<16xi32>,
        %swap3A_379 = vector.shape_cast %swap3A_378 : vector<16xi32> to vector<16xi32>
        %swap3A_380 = vector.shape_cast %add3A_376 : vector<16xi32> to vector<16xi32>
        tpu.vector_store %arg6[%swap3A_377], %swap3A_380 {strides = array<i32>} : memref<4096xi32, #tpu.memory_space<vmem>>, vector<16xi32>,
        %mul3A_381 = arith.constant 128 : i32
        %mul3A_382 = arith.muli %sub3A_354, %mul3A_381 : i32
        %add3A_383 = arith.constant 32 : i32
        %add3A_384 = arith.addi %mul3A_382, %add3A_383 : i32
        %get3A_385 = arith.index_cast %add3A_384 : i32 to index
        %get3A_386 = tpu.vector_load %arg5[%get3A_385] {strides = array<i32>} : memref<4096xi32, #tpu.memory_space<vmem>>, vector<16xi32>,
        %get3A_387 = vector.shape_cast %get3A_386 : vector<16xi32> to vector<16xi32>
        %add3A_388 = vector.broadcast %mul3A_2 : i32 to vector<16xi32>
        %add3A_389 = arith.addi %get3A_387, %add3A_388 : vector<16xi32>
        %swap3A_390 = arith.index_cast %add3A_384 : i32 to index
        %swap3A_391 = tpu.vector_load %arg6[%swap3A_390] {strides = array<i32>} : memref<4096xi32, #tpu.memory_space<vmem>>, vector<16xi32>,
        %swap3A_392 = vector.shape_cast %swap3A_391 : vector<16xi32> to vector<16xi32>
        %swap3A_393 = vector.shape_cast %add3A_389 : vector<16xi32> to vector<16xi32>
        tpu.vector_store %arg6[%swap3A_390], %swap3A_393 {strides = array<i32>} : memref<4096xi32, #tpu.memory_space<vmem>>, vector<16xi32>,
        %mul3A_394 = arith.constant 128 : i32
        %mul3A_395 = arith.muli %sub3A_354, %mul3A_394 : i32
        %add3A_396 = arith.constant 48 : i32
        %add3A_397 = arith.addi %mul3A_395, %add3A_396 : i32
        %get3A_398 = arith.index_cast %add3A_397 : i32 to index
        %get3A_399 = tpu.vector_load %arg5[%get3A_398] {strides = array<i32>} : memref<4096xi32, #tpu.memory_space<vmem>>, vector<16xi32>,
        %get3A_400 = vector.shape_cast %get3A_399 : vector<16xi32> to vector<16xi32>
        %add3A_401 = vector.broadcast %mul3A_2 : i32 to vector<16xi32>
        %add3A_402 = arith.addi %get3A_400, %add3A_401 : vector<16xi32>
        %swap3A_403 = arith.index_cast %add3A_397 : i32 to index
        %swap3A_404 = tpu.vector_load %arg6[%swap3A_403] {strides = array<i32>} : memref<4096xi32, #tpu.memory_space<vmem>>, vector<16xi32>,
        %swap3A_405 = vector.shape_cast %swap3A_404 : vector<16xi32> to vector<16xi32>
        %swap3A_406 = vector.shape_cast %add3A_402 : vector<16xi32> to vector<16xi32>
        tpu.vector_store %arg6[%swap3A_403], %swap3A_406 {strides = array<i32>} : memref<4096xi32, #tpu.memory_space<vmem>>, vector<16xi32>,
        %mul3A_407 = arith.constant 128 : i32
        %mul3A_408 = arith.muli %sub3A_354, %mul3A_407 : i32
        %add3A_409 = arith.constant 64 : i32
        %add3A_410 = arith.addi %mul3A_408, %add3A_409 : i32
        %get3A_411 = arith.index_cast %add3A_410 : i32 to index
        %get3A_412 = tpu.vector_load %arg5[%get3A_411] {strides = array<i32>} : memref<4096xi32, #tpu.memory_space<vmem>>, vector<16xi32>,
        %get3A_413 = vector.shape_cast %get3A_412 : vector<16xi32> to vector<16xi32>
        %add3A_414 = vector.broadcast %mul3A_2 : i32 to vector<16xi32>
        %add3A_415 = arith.addi %get3A_413, %add3A_414 : vector<16xi32>
        %swap3A_416 = arith.index_cast %add3A_410 : i32 to index
        %swap3A_417 = tpu.vector_load %arg6[%swap3A_416] {strides = array<i32>} : memref<4096xi32, #tpu.memory_space<vmem>>, vector<16xi32>,
        %swap3A_418 = vector.shape_cast %swap3A_417 : vector<16xi32> to vector<16xi32>
        %swap3A_419 = vector.shape_cast %add3A_415 : vector<16xi32> to vector<16xi32>
        tpu.vector_store %arg6[%swap3A_416], %swap3A_419 {strides = array<i32>} : memref<4096xi32, #tpu.memory_space<vmem>>, vector<16xi32>,
        %mul3A_420 = arith.constant 128 : i32
        %mul3A_421 = arith.muli %sub3A_354, %mul3A_420 : i32
        %add3A_422 = arith.constant 80 : i32
        %add3A_423 = arith.addi %mul3A_421, %add3A_422 : i32
        %get3A_424 = arith.index_cast %add3A_423 : i32 to index
        %get3A_425 = tpu.vector_load %arg5[%get3A_424] {strides = array<i32>} : memref<4096xi32, #tpu.memory_space<vmem>>, vector<16xi32>,
        %get3A_426 = vector.shape_cast %get3A_425 : vector<16xi32> to vector<16xi32>
        %add3A_427 = vector.broadcast %mul3A_2 : i32 to vector<16xi32>
        %add3A_428 = arith.addi %get3A_426, %add3A_427 : vector<16xi32>
        %swap3A_429 = arith.index_cast %add3A_423 : i32 to index
        %swap3A_430 = tpu.vector_load %arg6[%swap3A_429] {strides = array<i32>} : memref<4096xi32, #tpu.memory_space<vmem>>, vector<16xi32>,
        %swap3A_431 = vector.shape_cast %swap3A_430 : vector<16xi32> to vector<16xi32>
        %swap3A_432 = vector.shape_cast %add3A_428 : vector<16xi32> to vector<16xi32>
        tpu.vector_store %arg6[%swap3A_429], %swap3A_432 {strides = array<i32>} : memref<4096xi32, #tpu.memory_space<vmem>>, vector<16xi32>,
        %mul3A_433 = arith.constant 128 : i32
        %mul3A_434 = arith.muli %sub3A_354, %mul3A_433 : i32
        %add3A_435 = arith.constant 96 : i32
        %add3A_436 = arith.addi %mul3A_434, %add3A_435 : i32
        %get3A_437 = arith.index_cast %add3A_436 : i32 to index
        %get3A_438 = tpu.vector_load %arg5[%get3A_437] {strides = array<i32>} : memref<4096xi32, #tpu.memory_space<vmem>>, vector<16xi32>,
        %get3A_439 = vector.shape_cast %get3A_438 : vector<16xi32> to vector<16xi32>
        %add3A_440 = vector.broadcast %mul3A_2 : i32 to vector<16xi32>
        %add3A_441 = arith.addi %get3A_439, %add3A_440 : vector<16xi32>
        %swap3A_442 = arith.index_cast %add3A_436 : i32 to index
        %swap3A_443 = tpu.vector_load %arg6[%swap3A_442] {strides = array<i32>} : memref<4096xi32, #tpu.memory_space<vmem>>, vector<16xi32>,
        %swap3A_444 = vector.shape_cast %swap3A_443 : vector<16xi32> to vector<16xi32>
        %swap3A_445 = vector.shape_cast %add3A_441 : vector<16xi32> to vector<16xi32>
        tpu.vector_store %arg6[%swap3A_442], %swap3A_445 {strides = array<i32>} : memref<4096xi32, #tpu.memory_space<vmem>>, vector<16xi32>,
        %mul3A_446 = arith.constant 128 : i32
        %mul3A_447 = arith.muli %sub3A_354, %mul3A_446 : i32
        %add3A_448 = arith.constant 112 : i32
        %add3A_449 = arith.addi %mul3A_447, %add3A_448 : i32
        %get3A_450 = arith.index_cast %add3A_449 : i32 to index
        %get3A_451 = tpu.vector_load %arg5[%get3A_450] {strides = array<i32>} : memref<4096xi32, #tpu.memory_space<vmem>>, vector<16xi32>,
        %get3A_452 = vector.shape_cast %get3A_451 : vector<16xi32> to vector<16xi32>
        %add3A_453 = vector.broadcast %mul3A_2 : i32 to vector<16xi32>
        %add3A_454 = arith.addi %get3A_452, %add3A_453 : vector<16xi32>
        %swap3A_455 = arith.index_cast %add3A_449 : i32 to index
        %swap3A_456 = tpu.vector_load %arg6[%swap3A_455] {strides = array<i32>} : memref<4096xi32, #tpu.memory_space<vmem>>, vector<16xi32>,
        %swap3A_457 = vector.shape_cast %swap3A_456 : vector<16xi32> to vector<16xi32>
        %swap3A_458 = vector.shape_cast %add3A_454 : vector<16xi32> to vector<16xi32>
        tpu.vector_store %arg6[%swap3A_455], %swap3A_458 {strides = array<i32>} : memref<4096xi32, #tpu.memory_space<vmem>>, vector<16xi32>,
        %add3A_459 = arith.constant 4 : i32
        %add3A_460 = arith.addi %add3A_268, %add3A_459 : i32
        %sub3A_461 = arith.constant 1 : i32
        %sub3A_462 = arith.subi %add3A_460, %sub3A_461 : i32
        %mul3A_463 = arith.constant 128 : i32
        %mul3A_464 = arith.muli %sub3A_462, %mul3A_463 : i32
        %dma_start3A_465 = tpu.memref_slice %arg6[%mul3A_464] : memref<4096xi32, #tpu.memory_space<vmem>> -> memref<128xi32, #tpu.memory_space<vmem>>
        %dma_start3A_466 = arith.constant 0 : i32
        %dma_start3A_467 = arith.constant 0 : i32
        %dma_start3A_468 = tpu.memref_slice %arg2[%dma_start3A_466, %dma_start3A_467] : memref<262144x128xf32, #tpu.memory_space<hbm>> -> memref<262144x128xf32, #tpu.memory_space<hbm>>
        tpu.enqueue_indirect_dma source(%dma_start3A_468 : memref<262144x128xf32, #tpu.memory_space<hbm>>) target(%arg7 : memref<128x128xf32, #tpu.memory_space<vmem>>) offsets(%dma_start3A_465 : memref<128xi32, #tpu.memory_space<vmem>>) semaphore(%arg11 : memref<!tpu.dma_semaphore, #tpu.memory_space<semaphore_mem>>)
      } else {
      }
      %add3A_295 = arith.constant 2 : i32
      %add3A_296 = arith.addi %mul3A_243, %add3A_295 : i32
      %dma_wait3A_297 = arith.constant 0 : i32
      %dma_wait3A_298 = tpu.memref_slice %arg6[%dma_wait3A_297] : memref<4096xi32, #tpu.memory_space<vmem>> -> memref<128xi32, #tpu.memory_space<vmem>>
      %dma_wait3A_299 = arith.constant 0 : i32
      %dma_wait3A_300 = arith.constant 0 : i32
      %dma_wait3A_301 = tpu.memref_slice %arg2[%dma_wait3A_299, %dma_wait3A_300] : memref<262144x128xf32, #tpu.memory_space<hbm>> -> memref<262144x128xf32, #tpu.memory_space<hbm>>
      tpu.wait_indirect_dma semaphore(%arg13 : memref<!tpu.dma_semaphore, #tpu.memory_space<semaphore_mem>>) src(%dma_wait3A_301 : memref<262144x128xf32, #tpu.memory_space<hbm>>) dst(%arg9 : memref<128x128xf32, #tpu.memory_space<vmem>>)
      %mul3A_302 = arith.constant 128 : i32
      %mul3A_303 = arith.muli %add3A_296, %mul3A_302 : i32
      %add3A_304 = arith.addi %mul3A_4, %mul3A_303 : i32
      %dma_start3A_305 = arith.constant 0 : i32
      %dma_start3A_306 = tpu.memref_slice %arg4[%add3A_304, %dma_start3A_305] : memref<131072x128xf32, #tpu.memory_space<hbm>> -> memref<128x128xf32, #tpu.memory_space<hbm>>
      %dma_start3A_307 = arith.constant 0 : i32
      %dma_start3A_308 = tpu.memref_slice %arg4[%add3A_304, %dma_start3A_307] : memref<131072x128xf32, #tpu.memory_space<hbm>> -> memref<128x128xf32, #tpu.memory_space<hbm>>
      tpu.enqueue_dma source(%arg9 : memref<128x128xf32, #tpu.memory_space<vmem>>) target(%dma_start3A_308 : memref<128x128xf32, #tpu.memory_space<hbm>>) target_semaphore(%arg17 : memref<!tpu.dma_semaphore, #tpu.memory_space<semaphore_mem>>)
      %ge3A_309 = arith.constant 1 : i32
      %ge3A_310 = arith.cmpi sge, %add3A_296, %ge3A_309 : i32
      %convert_element_type3A_311 = arith.extui %ge3A_310 : i1 to i32
      %cond3A_312 = arith.constant 0 : i32
      %cond3A_313 = arith.cmpi ne, %convert_element_type3A_311, %cond3A_312 : i32
      scf.if %cond3A_313 {
        %dma_wait3A_351 = arith.constant 0 : i32
        %dma_wait3A_352 = tpu.memref_slice %arg4[%mul3A_4, %dma_wait3A_351] : memref<131072x128xf32, #tpu.memory_space<hbm>> -> memref<128x128xf32, #tpu.memory_space<hbm>>
        %dma_wait3A_353 = arith.constant 0 : i32
        %dma_wait3A_354 = tpu.memref_slice %arg4[%mul3A_4, %dma_wait3A_353] : memref<131072x128xf32, #tpu.memory_space<hbm>> -> memref<128x128xf32, #tpu.memory_space<hbm>>
        tpu.wait_dma2 semaphore(%arg16 : memref<!tpu.dma_semaphore, #tpu.memory_space<semaphore_mem>>) src(%arg8 : memref<128x128xf32, #tpu.memory_space<vmem>>) dst(%dma_wait3A_354 : memref<128x128xf32, #tpu.memory_space<hbm>>)
      } else {
      }
      %add3A_314 = arith.constant 4 : i32
      %add3A_315 = arith.addi %add3A_296, %add3A_314 : i32
      %sub3A_316 = arith.constant 1 : i32
      %sub3A_317 = arith.subi %add3A_315, %sub3A_316 : i32
      %lt3A_318 = arith.constant 32 : i32
      %lt3A_319 = arith.cmpi slt, %sub3A_317, %lt3A_318 : i32
      %convert_element_type3A_320 = arith.extui %lt3A_319 : i1 to i32
      %cond3A_321 = arith.constant 0 : i32
      %cond3A_322 = arith.cmpi ne, %convert_element_type3A_320, %cond3A_321 : i32
      scf.if %cond3A_322 {
        %add3A_351 = arith.constant 4 : i32
        %add3A_352 = arith.addi %add3A_296, %add3A_351 : i32
        %sub3A_353 = arith.constant 1 : i32
        %sub3A_354 = arith.subi %add3A_352, %sub3A_353 : i32
        %mul3A_355 = arith.constant 128 : i32
        %mul3A_356 = arith.muli %sub3A_354, %mul3A_355 : i32
        %add3A_357 = arith.constant 0 : i32
        %add3A_358 = arith.addi %mul3A_356, %add3A_357 : i32
        %get3A_359 = arith.index_cast %add3A_358 : i32 to index
        %get3A_360 = tpu.vector_load %arg5[%get3A_359] {strides = array<i32>} : memref<4096xi32, #tpu.memory_space<vmem>>, vector<16xi32>,
        %get3A_361 = vector.shape_cast %get3A_360 : vector<16xi32> to vector<16xi32>
        %add3A_362 = vector.broadcast %mul3A_2 : i32 to vector<16xi32>
        %add3A_363 = arith.addi %get3A_361, %add3A_362 : vector<16xi32>
        %swap3A_364 = arith.index_cast %add3A_358 : i32 to index
        %swap3A_365 = tpu.vector_load %arg6[%swap3A_364] {strides = array<i32>} : memref<4096xi32, #tpu.memory_space<vmem>>, vector<16xi32>,
        %swap3A_366 = vector.shape_cast %swap3A_365 : vector<16xi32> to vector<16xi32>
        %swap3A_367 = vector.shape_cast %add3A_363 : vector<16xi32> to vector<16xi32>
        tpu.vector_store %arg6[%swap3A_364], %swap3A_367 {strides = array<i32>} : memref<4096xi32, #tpu.memory_space<vmem>>, vector<16xi32>,
        %mul3A_368 = arith.constant 128 : i32
        %mul3A_369 = arith.muli %sub3A_354, %mul3A_368 : i32
        %add3A_370 = arith.constant 16 : i32
        %add3A_371 = arith.addi %mul3A_369, %add3A_370 : i32
        %get3A_372 = arith.index_cast %add3A_371 : i32 to index
        %get3A_373 = tpu.vector_load %arg5[%get3A_372] {strides = array<i32>} : memref<4096xi32, #tpu.memory_space<vmem>>, vector<16xi32>,
        %get3A_374 = vector.shape_cast %get3A_373 : vector<16xi32> to vector<16xi32>
        %add3A_375 = vector.broadcast %mul3A_2 : i32 to vector<16xi32>
        %add3A_376 = arith.addi %get3A_374, %add3A_375 : vector<16xi32>
        %swap3A_377 = arith.index_cast %add3A_371 : i32 to index
        %swap3A_378 = tpu.vector_load %arg6[%swap3A_377] {strides = array<i32>} : memref<4096xi32, #tpu.memory_space<vmem>>, vector<16xi32>,
        %swap3A_379 = vector.shape_cast %swap3A_378 : vector<16xi32> to vector<16xi32>
        %swap3A_380 = vector.shape_cast %add3A_376 : vector<16xi32> to vector<16xi32>
        tpu.vector_store %arg6[%swap3A_377], %swap3A_380 {strides = array<i32>} : memref<4096xi32, #tpu.memory_space<vmem>>, vector<16xi32>,
        %mul3A_381 = arith.constant 128 : i32
        %mul3A_382 = arith.muli %sub3A_354, %mul3A_381 : i32
        %add3A_383 = arith.constant 32 : i32
        %add3A_384 = arith.addi %mul3A_382, %add3A_383 : i32
        %get3A_385 = arith.index_cast %add3A_384 : i32 to index
        %get3A_386 = tpu.vector_load %arg5[%get3A_385] {strides = array<i32>} : memref<4096xi32, #tpu.memory_space<vmem>>, vector<16xi32>,
        %get3A_387 = vector.shape_cast %get3A_386 : vector<16xi32> to vector<16xi32>
        %add3A_388 = vector.broadcast %mul3A_2 : i32 to vector<16xi32>
        %add3A_389 = arith.addi %get3A_387, %add3A_388 : vector<16xi32>
        %swap3A_390 = arith.index_cast %add3A_384 : i32 to index
        %swap3A_391 = tpu.vector_load %arg6[%swap3A_390] {strides = array<i32>} : memref<4096xi32, #tpu.memory_space<vmem>>, vector<16xi32>,
        %swap3A_392 = vector.shape_cast %swap3A_391 : vector<16xi32> to vector<16xi32>
        %swap3A_393 = vector.shape_cast %add3A_389 : vector<16xi32> to vector<16xi32>
        tpu.vector_store %arg6[%swap3A_390], %swap3A_393 {strides = array<i32>} : memref<4096xi32, #tpu.memory_space<vmem>>, vector<16xi32>,
        %mul3A_394 = arith.constant 128 : i32
        %mul3A_395 = arith.muli %sub3A_354, %mul3A_394 : i32
        %add3A_396 = arith.constant 48 : i32
        %add3A_397 = arith.addi %mul3A_395, %add3A_396 : i32
        %get3A_398 = arith.index_cast %add3A_397 : i32 to index
        %get3A_399 = tpu.vector_load %arg5[%get3A_398] {strides = array<i32>} : memref<4096xi32, #tpu.memory_space<vmem>>, vector<16xi32>,
        %get3A_400 = vector.shape_cast %get3A_399 : vector<16xi32> to vector<16xi32>
        %add3A_401 = vector.broadcast %mul3A_2 : i32 to vector<16xi32>
        %add3A_402 = arith.addi %get3A_400, %add3A_401 : vector<16xi32>
        %swap3A_403 = arith.index_cast %add3A_397 : i32 to index
        %swap3A_404 = tpu.vector_load %arg6[%swap3A_403] {strides = array<i32>} : memref<4096xi32, #tpu.memory_space<vmem>>, vector<16xi32>,
        %swap3A_405 = vector.shape_cast %swap3A_404 : vector<16xi32> to vector<16xi32>
        %swap3A_406 = vector.shape_cast %add3A_402 : vector<16xi32> to vector<16xi32>
        tpu.vector_store %arg6[%swap3A_403], %swap3A_406 {strides = array<i32>} : memref<4096xi32, #tpu.memory_space<vmem>>, vector<16xi32>,
        %mul3A_407 = arith.constant 128 : i32
        %mul3A_408 = arith.muli %sub3A_354, %mul3A_407 : i32
        %add3A_409 = arith.constant 64 : i32
        %add3A_410 = arith.addi %mul3A_408, %add3A_409 : i32
        %get3A_411 = arith.index_cast %add3A_410 : i32 to index
        %get3A_412 = tpu.vector_load %arg5[%get3A_411] {strides = array<i32>} : memref<4096xi32, #tpu.memory_space<vmem>>, vector<16xi32>,
        %get3A_413 = vector.shape_cast %get3A_412 : vector<16xi32> to vector<16xi32>
        %add3A_414 = vector.broadcast %mul3A_2 : i32 to vector<16xi32>
        %add3A_415 = arith.addi %get3A_413, %add3A_414 : vector<16xi32>
        %swap3A_416 = arith.index_cast %add3A_410 : i32 to index
        %swap3A_417 = tpu.vector_load %arg6[%swap3A_416] {strides = array<i32>} : memref<4096xi32, #tpu.memory_space<vmem>>, vector<16xi32>,
        %swap3A_418 = vector.shape_cast %swap3A_417 : vector<16xi32> to vector<16xi32>
        %swap3A_419 = vector.shape_cast %add3A_415 : vector<16xi32> to vector<16xi32>
        tpu.vector_store %arg6[%swap3A_416], %swap3A_419 {strides = array<i32>} : memref<4096xi32, #tpu.memory_space<vmem>>, vector<16xi32>,
        %mul3A_420 = arith.constant 128 : i32
        %mul3A_421 = arith.muli %sub3A_354, %mul3A_420 : i32
        %add3A_422 = arith.constant 80 : i32
        %add3A_423 = arith.addi %mul3A_421, %add3A_422 : i32
        %get3A_424 = arith.index_cast %add3A_423 : i32 to index
        %get3A_425 = tpu.vector_load %arg5[%get3A_424] {strides = array<i32>} : memref<4096xi32, #tpu.memory_space<vmem>>, vector<16xi32>,
        %get3A_426 = vector.shape_cast %get3A_425 : vector<16xi32> to vector<16xi32>
        %add3A_427 = vector.broadcast %mul3A_2 : i32 to vector<16xi32>
        %add3A_428 = arith.addi %get3A_426, %add3A_427 : vector<16xi32>
        %swap3A_429 = arith.index_cast %add3A_423 : i32 to index
        %swap3A_430 = tpu.vector_load %arg6[%swap3A_429] {strides = array<i32>} : memref<4096xi32, #tpu.memory_space<vmem>>, vector<16xi32>,
        %swap3A_431 = vector.shape_cast %swap3A_430 : vector<16xi32> to vector<16xi32>
        %swap3A_432 = vector.shape_cast %add3A_428 : vector<16xi32> to vector<16xi32>
        tpu.vector_store %arg6[%swap3A_429], %swap3A_432 {strides = array<i32>} : memref<4096xi32, #tpu.memory_space<vmem>>, vector<16xi32>,
        %mul3A_433 = arith.constant 128 : i32
        %mul3A_434 = arith.muli %sub3A_354, %mul3A_433 : i32
        %add3A_435 = arith.constant 96 : i32
        %add3A_436 = arith.addi %mul3A_434, %add3A_435 : i32
        %get3A_437 = arith.index_cast %add3A_436 : i32 to index
        %get3A_438 = tpu.vector_load %arg5[%get3A_437] {strides = array<i32>} : memref<4096xi32, #tpu.memory_space<vmem>>, vector<16xi32>,
        %get3A_439 = vector.shape_cast %get3A_438 : vector<16xi32> to vector<16xi32>
        %add3A_440 = vector.broadcast %mul3A_2 : i32 to vector<16xi32>
        %add3A_441 = arith.addi %get3A_439, %add3A_440 : vector<16xi32>
        %swap3A_442 = arith.index_cast %add3A_436 : i32 to index
        %swap3A_443 = tpu.vector_load %arg6[%swap3A_442] {strides = array<i32>} : memref<4096xi32, #tpu.memory_space<vmem>>, vector<16xi32>,
        %swap3A_444 = vector.shape_cast %swap3A_443 : vector<16xi32> to vector<16xi32>
        %swap3A_445 = vector.shape_cast %add3A_441 : vector<16xi32> to vector<16xi32>
        tpu.vector_store %arg6[%swap3A_442], %swap3A_445 {strides = array<i32>} : memref<4096xi32, #tpu.memory_space<vmem>>, vector<16xi32>,
        %mul3A_446 = arith.constant 128 : i32
        %mul3A_447 = arith.muli %sub3A_354, %mul3A_446 : i32
        %add3A_448 = arith.constant 112 : i32
        %add3A_449 = arith.addi %mul3A_447, %add3A_448 : i32
        %get3A_450 = arith.index_cast %add3A_449 : i32 to index
        %get3A_451 = tpu.vector_load %arg5[%get3A_450] {strides = array<i32>} : memref<4096xi32, #tpu.memory_space<vmem>>, vector<16xi32>,
        %get3A_452 = vector.shape_cast %get3A_451 : vector<16xi32> to vector<16xi32>
        %add3A_453 = vector.broadcast %mul3A_2 : i32 to vector<16xi32>
        %add3A_454 = arith.addi %get3A_452, %add3A_453 : vector<16xi32>
        %swap3A_455 = arith.index_cast %add3A_449 : i32 to index
        %swap3A_456 = tpu.vector_load %arg6[%swap3A_455] {strides = array<i32>} : memref<4096xi32, #tpu.memory_space<vmem>>, vector<16xi32>,
        %swap3A_457 = vector.shape_cast %swap3A_456 : vector<16xi32> to vector<16xi32>
        %swap3A_458 = vector.shape_cast %add3A_454 : vector<16xi32> to vector<16xi32>
        tpu.vector_store %arg6[%swap3A_455], %swap3A_458 {strides = array<i32>} : memref<4096xi32, #tpu.memory_space<vmem>>, vector<16xi32>,
        %add3A_459 = arith.constant 4 : i32
        %add3A_460 = arith.addi %add3A_296, %add3A_459 : i32
        %sub3A_461 = arith.constant 1 : i32
        %sub3A_462 = arith.subi %add3A_460, %sub3A_461 : i32
        %mul3A_463 = arith.constant 128 : i32
        %mul3A_464 = arith.muli %sub3A_462, %mul3A_463 : i32
        %dma_start3A_465 = tpu.memref_slice %arg6[%mul3A_464] : memref<4096xi32, #tpu.memory_space<vmem>> -> memref<128xi32, #tpu.memory_space<vmem>>
        %dma_start3A_466 = arith.constant 0 : i32
        %dma_start3A_467 = arith.constant 0 : i32
        %dma_start3A_468 = tpu.memref_slice %arg2[%dma_start3A_466, %dma_start3A_467] : memref<262144x128xf32, #tpu.memory_space<hbm>> -> memref<262144x128xf32, #tpu.memory_space<hbm>>
        tpu.enqueue_indirect_dma source(%dma_start3A_468 : memref<262144x128xf32, #tpu.memory_space<hbm>>) target(%arg8 : memref<128x128xf32, #tpu.memory_space<vmem>>) offsets(%dma_start3A_465 : memref<128xi32, #tpu.memory_space<vmem>>) semaphore(%arg12 : memref<!tpu.dma_semaphore, #tpu.memory_space<semaphore_mem>>)
      } else {
      }
      %add3A_323 = arith.constant 3 : i32
      %add3A_324 = arith.addi %mul3A_243, %add3A_323 : i32
      %dma_wait3A_325 = arith.constant 0 : i32
      %dma_wait3A_326 = tpu.memref_slice %arg6[%dma_wait3A_325] : memref<4096xi32, #tpu.memory_space<vmem>> -> memref<128xi32, #tpu.memory_space<vmem>>
      %dma_wait3A_327 = arith.constant 0 : i32
      %dma_wait3A_328 = arith.constant 0 : i32
      %dma_wait3A_329 = tpu.memref_slice %arg2[%dma_wait3A_327, %dma_wait3A_328] : memref<262144x128xf32, #tpu.memory_space<hbm>> -> memref<262144x128xf32, #tpu.memory_space<hbm>>
      tpu.wait_indirect_dma semaphore(%arg14 : memref<!tpu.dma_semaphore, #tpu.memory_space<semaphore_mem>>) src(%dma_wait3A_329 : memref<262144x128xf32, #tpu.memory_space<hbm>>) dst(%arg10 : memref<128x128xf32, #tpu.memory_space<vmem>>)
      %mul3A_330 = arith.constant 128 : i32
      %mul3A_331 = arith.muli %add3A_324, %mul3A_330 : i32
      %add3A_332 = arith.addi %mul3A_4, %mul3A_331 : i32
      %dma_start3A_333 = arith.constant 0 : i32
      %dma_start3A_334 = tpu.memref_slice %arg4[%add3A_332, %dma_start3A_333] : memref<131072x128xf32, #tpu.memory_space<hbm>> -> memref<128x128xf32, #tpu.memory_space<hbm>>
      %dma_start3A_335 = arith.constant 0 : i32
      %dma_start3A_336 = tpu.memref_slice %arg4[%add3A_332, %dma_start3A_335] : memref<131072x128xf32, #tpu.memory_space<hbm>> -> memref<128x128xf32, #tpu.memory_space<hbm>>
      tpu.enqueue_dma source(%arg10 : memref<128x128xf32, #tpu.memory_space<vmem>>) target(%dma_start3A_336 : memref<128x128xf32, #tpu.memory_space<hbm>>) target_semaphore(%arg18 : memref<!tpu.dma_semaphore, #tpu.memory_space<semaphore_mem>>)
      %ge3A_337 = arith.constant 1 : i32
      %ge3A_338 = arith.cmpi sge, %add3A_324, %ge3A_337 : i32
      %convert_element_type3A_339 = arith.extui %ge3A_338 : i1 to i32
      %cond3A_340 = arith.constant 0 : i32
      %cond3A_341 = arith.cmpi ne, %convert_element_type3A_339, %cond3A_340 : i32
      scf.if %cond3A_341 {
        %dma_wait3A_351 = arith.constant 0 : i32
        %dma_wait3A_352 = tpu.memref_slice %arg4[%mul3A_4, %dma_wait3A_351] : memref<131072x128xf32, #tpu.memory_space<hbm>> -> memref<128x128xf32, #tpu.memory_space<hbm>>
        %dma_wait3A_353 = arith.constant 0 : i32
        %dma_wait3A_354 = tpu.memref_slice %arg4[%mul3A_4, %dma_wait3A_353] : memref<131072x128xf32, #tpu.memory_space<hbm>> -> memref<128x128xf32, #tpu.memory_space<hbm>>
        tpu.wait_dma2 semaphore(%arg17 : memref<!tpu.dma_semaphore, #tpu.memory_space<semaphore_mem>>) src(%arg9 : memref<128x128xf32, #tpu.memory_space<vmem>>) dst(%dma_wait3A_354 : memref<128x128xf32, #tpu.memory_space<hbm>>)
      } else {
      }
      %add3A_342 = arith.constant 4 : i32
      %add3A_343 = arith.addi %add3A_324, %add3A_342 : i32
      %sub3A_344 = arith.constant 1 : i32
      %sub3A_345 = arith.subi %add3A_343, %sub3A_344 : i32
      %lt3A_346 = arith.constant 32 : i32
      %lt3A_347 = arith.cmpi slt, %sub3A_345, %lt3A_346 : i32
      %convert_element_type3A_348 = arith.extui %lt3A_347 : i1 to i32
      %cond3A_349 = arith.constant 0 : i32
      %cond3A_350 = arith.cmpi ne, %convert_element_type3A_348, %cond3A_349 : i32
      scf.if %cond3A_350 {
        %add3A_351 = arith.constant 4 : i32
        %add3A_352 = arith.addi %add3A_324, %add3A_351 : i32
        %sub3A_353 = arith.constant 1 : i32
        %sub3A_354 = arith.subi %add3A_352, %sub3A_353 : i32
        %mul3A_355 = arith.constant 128 : i32
        %mul3A_356 = arith.muli %sub3A_354, %mul3A_355 : i32
        %add3A_357 = arith.constant 0 : i32
        %add3A_358 = arith.addi %mul3A_356, %add3A_357 : i32
        %get3A_359 = arith.index_cast %add3A_358 : i32 to index
        %get3A_360 = tpu.vector_load %arg5[%get3A_359] {strides = array<i32>} : memref<4096xi32, #tpu.memory_space<vmem>>, vector<16xi32>,
        %get3A_361 = vector.shape_cast %get3A_360 : vector<16xi32> to vector<16xi32>
        %add3A_362 = vector.broadcast %mul3A_2 : i32 to vector<16xi32>
        %add3A_363 = arith.addi %get3A_361, %add3A_362 : vector<16xi32>
        %swap3A_364 = arith.index_cast %add3A_358 : i32 to index
        %swap3A_365 = tpu.vector_load %arg6[%swap3A_364] {strides = array<i32>} : memref<4096xi32, #tpu.memory_space<vmem>>, vector<16xi32>,
        %swap3A_366 = vector.shape_cast %swap3A_365 : vector<16xi32> to vector<16xi32>
        %swap3A_367 = vector.shape_cast %add3A_363 : vector<16xi32> to vector<16xi32>
        tpu.vector_store %arg6[%swap3A_364], %swap3A_367 {strides = array<i32>} : memref<4096xi32, #tpu.memory_space<vmem>>, vector<16xi32>,
        %mul3A_368 = arith.constant 128 : i32
        %mul3A_369 = arith.muli %sub3A_354, %mul3A_368 : i32
        %add3A_370 = arith.constant 16 : i32
        %add3A_371 = arith.addi %mul3A_369, %add3A_370 : i32
        %get3A_372 = arith.index_cast %add3A_371 : i32 to index
        %get3A_373 = tpu.vector_load %arg5[%get3A_372] {strides = array<i32>} : memref<4096xi32, #tpu.memory_space<vmem>>, vector<16xi32>,
        %get3A_374 = vector.shape_cast %get3A_373 : vector<16xi32> to vector<16xi32>
        %add3A_375 = vector.broadcast %mul3A_2 : i32 to vector<16xi32>
        %add3A_376 = arith.addi %get3A_374, %add3A_375 : vector<16xi32>
        %swap3A_377 = arith.index_cast %add3A_371 : i32 to index
        %swap3A_378 = tpu.vector_load %arg6[%swap3A_377] {strides = array<i32>} : memref<4096xi32, #tpu.memory_space<vmem>>, vector<16xi32>,
        %swap3A_379 = vector.shape_cast %swap3A_378 : vector<16xi32> to vector<16xi32>
        %swap3A_380 = vector.shape_cast %add3A_376 : vector<16xi32> to vector<16xi32>
        tpu.vector_store %arg6[%swap3A_377], %swap3A_380 {strides = array<i32>} : memref<4096xi32, #tpu.memory_space<vmem>>, vector<16xi32>,
        %mul3A_381 = arith.constant 128 : i32
        %mul3A_382 = arith.muli %sub3A_354, %mul3A_381 : i32
        %add3A_383 = arith.constant 32 : i32
        %add3A_384 = arith.addi %mul3A_382, %add3A_383 : i32
        %get3A_385 = arith.index_cast %add3A_384 : i32 to index
        %get3A_386 = tpu.vector_load %arg5[%get3A_385] {strides = array<i32>} : memref<4096xi32, #tpu.memory_space<vmem>>, vector<16xi32>,
        %get3A_387 = vector.shape_cast %get3A_386 : vector<16xi32> to vector<16xi32>
        %add3A_388 = vector.broadcast %mul3A_2 : i32 to vector<16xi32>
        %add3A_389 = arith.addi %get3A_387, %add3A_388 : vector<16xi32>
        %swap3A_390 = arith.index_cast %add3A_384 : i32 to index
        %swap3A_391 = tpu.vector_load %arg6[%swap3A_390] {strides = array<i32>} : memref<4096xi32, #tpu.memory_space<vmem>>, vector<16xi32>,
        %swap3A_392 = vector.shape_cast %swap3A_391 : vector<16xi32> to vector<16xi32>
        %swap3A_393 = vector.shape_cast %add3A_389 : vector<16xi32> to vector<16xi32>
        tpu.vector_store %arg6[%swap3A_390], %swap3A_393 {strides = array<i32>} : memref<4096xi32, #tpu.memory_space<vmem>>, vector<16xi32>,
        %mul3A_394 = arith.constant 128 : i32
        %mul3A_395 = arith.muli %sub3A_354, %mul3A_394 : i32
        %add3A_396 = arith.constant 48 : i32
        %add3A_397 = arith.addi %mul3A_395, %add3A_396 : i32
        %get3A_398 = arith.index_cast %add3A_397 : i32 to index
        %get3A_399 = tpu.vector_load %arg5[%get3A_398] {strides = array<i32>} : memref<4096xi32, #tpu.memory_space<vmem>>, vector<16xi32>,
        %get3A_400 = vector.shape_cast %get3A_399 : vector<16xi32> to vector<16xi32>
        %add3A_401 = vector.broadcast %mul3A_2 : i32 to vector<16xi32>
        %add3A_402 = arith.addi %get3A_400, %add3A_401 : vector<16xi32>
        %swap3A_403 = arith.index_cast %add3A_397 : i32 to index
        %swap3A_404 = tpu.vector_load %arg6[%swap3A_403] {strides = array<i32>} : memref<4096xi32, #tpu.memory_space<vmem>>, vector<16xi32>,
        %swap3A_405 = vector.shape_cast %swap3A_404 : vector<16xi32> to vector<16xi32>
        %swap3A_406 = vector.shape_cast %add3A_402 : vector<16xi32> to vector<16xi32>
        tpu.vector_store %arg6[%swap3A_403], %swap3A_406 {strides = array<i32>} : memref<4096xi32, #tpu.memory_space<vmem>>, vector<16xi32>,
        %mul3A_407 = arith.constant 128 : i32
        %mul3A_408 = arith.muli %sub3A_354, %mul3A_407 : i32
        %add3A_409 = arith.constant 64 : i32
        %add3A_410 = arith.addi %mul3A_408, %add3A_409 : i32
        %get3A_411 = arith.index_cast %add3A_410 : i32 to index
        %get3A_412 = tpu.vector_load %arg5[%get3A_411] {strides = array<i32>} : memref<4096xi32, #tpu.memory_space<vmem>>, vector<16xi32>,
        %get3A_413 = vector.shape_cast %get3A_412 : vector<16xi32> to vector<16xi32>
        %add3A_414 = vector.broadcast %mul3A_2 : i32 to vector<16xi32>
        %add3A_415 = arith.addi %get3A_413, %add3A_414 : vector<16xi32>
        %swap3A_416 = arith.index_cast %add3A_410 : i32 to index
        %swap3A_417 = tpu.vector_load %arg6[%swap3A_416] {strides = array<i32>} : memref<4096xi32, #tpu.memory_space<vmem>>, vector<16xi32>,
        %swap3A_418 = vector.shape_cast %swap3A_417 : vector<16xi32> to vector<16xi32>
        %swap3A_419 = vector.shape_cast %add3A_415 : vector<16xi32> to vector<16xi32>
        tpu.vector_store %arg6[%swap3A_416], %swap3A_419 {strides = array<i32>} : memref<4096xi32, #tpu.memory_space<vmem>>, vector<16xi32>,
        %mul3A_420 = arith.constant 128 : i32
        %mul3A_421 = arith.muli %sub3A_354, %mul3A_420 : i32
        %add3A_422 = arith.constant 80 : i32
        %add3A_423 = arith.addi %mul3A_421, %add3A_422 : i32
        %get3A_424 = arith.index_cast %add3A_423 : i32 to index
        %get3A_425 = tpu.vector_load %arg5[%get3A_424] {strides = array<i32>} : memref<4096xi32, #tpu.memory_space<vmem>>, vector<16xi32>,
        %get3A_426 = vector.shape_cast %get3A_425 : vector<16xi32> to vector<16xi32>
        %add3A_427 = vector.broadcast %mul3A_2 : i32 to vector<16xi32>
        %add3A_428 = arith.addi %get3A_426, %add3A_427 : vector<16xi32>
        %swap3A_429 = arith.index_cast %add3A_423 : i32 to index
        %swap3A_430 = tpu.vector_load %arg6[%swap3A_429] {strides = array<i32>} : memref<4096xi32, #tpu.memory_space<vmem>>, vector<16xi32>,
        %swap3A_431 = vector.shape_cast %swap3A_430 : vector<16xi32> to vector<16xi32>
        %swap3A_432 = vector.shape_cast %add3A_428 : vector<16xi32> to vector<16xi32>
        tpu.vector_store %arg6[%swap3A_429], %swap3A_432 {strides = array<i32>} : memref<4096xi32, #tpu.memory_space<vmem>>, vector<16xi32>,
        %mul3A_433 = arith.constant 128 : i32
        %mul3A_434 = arith.muli %sub3A_354, %mul3A_433 : i32
        %add3A_435 = arith.constant 96 : i32
        %add3A_436 = arith.addi %mul3A_434, %add3A_435 : i32
        %get3A_437 = arith.index_cast %add3A_436 : i32 to index
        %get3A_438 = tpu.vector_load %arg5[%get3A_437] {strides = array<i32>} : memref<4096xi32, #tpu.memory_space<vmem>>, vector<16xi32>,
        %get3A_439 = vector.shape_cast %get3A_438 : vector<16xi32> to vector<16xi32>
        %add3A_440 = vector.broadcast %mul3A_2 : i32 to vector<16xi32>
        %add3A_441 = arith.addi %get3A_439, %add3A_440 : vector<16xi32>
        %swap3A_442 = arith.index_cast %add3A_436 : i32 to index
        %swap3A_443 = tpu.vector_load %arg6[%swap3A_442] {strides = array<i32>} : memref<4096xi32, #tpu.memory_space<vmem>>, vector<16xi32>,
        %swap3A_444 = vector.shape_cast %swap3A_443 : vector<16xi32> to vector<16xi32>
        %swap3A_445 = vector.shape_cast %add3A_441 : vector<16xi32> to vector<16xi32>
        tpu.vector_store %arg6[%swap3A_442], %swap3A_445 {strides = array<i32>} : memref<4096xi32, #tpu.memory_space<vmem>>, vector<16xi32>,
        %mul3A_446 = arith.constant 128 : i32
        %mul3A_447 = arith.muli %sub3A_354, %mul3A_446 : i32
        %add3A_448 = arith.constant 112 : i32
        %add3A_449 = arith.addi %mul3A_447, %add3A_448 : i32
        %get3A_450 = arith.index_cast %add3A_449 : i32 to index
        %get3A_451 = tpu.vector_load %arg5[%get3A_450] {strides = array<i32>} : memref<4096xi32, #tpu.memory_space<vmem>>, vector<16xi32>,
        %get3A_452 = vector.shape_cast %get3A_451 : vector<16xi32> to vector<16xi32>
        %add3A_453 = vector.broadcast %mul3A_2 : i32 to vector<16xi32>
        %add3A_454 = arith.addi %get3A_452, %add3A_453 : vector<16xi32>
        %swap3A_455 = arith.index_cast %add3A_449 : i32 to index
        %swap3A_456 = tpu.vector_load %arg6[%swap3A_455] {strides = array<i32>} : memref<4096xi32, #tpu.memory_space<vmem>>, vector<16xi32>,
        %swap3A_457 = vector.shape_cast %swap3A_456 : vector<16xi32> to vector<16xi32>
        %swap3A_458 = vector.shape_cast %add3A_454 : vector<16xi32> to vector<16xi32>
        tpu.vector_store %arg6[%swap3A_455], %swap3A_458 {strides = array<i32>} : memref<4096xi32, #tpu.memory_space<vmem>>, vector<16xi32>,
        %add3A_459 = arith.constant 4 : i32
        %add3A_460 = arith.addi %add3A_324, %add3A_459 : i32
        %sub3A_461 = arith.constant 1 : i32
        %sub3A_462 = arith.subi %add3A_460, %sub3A_461 : i32
        %mul3A_463 = arith.constant 128 : i32
        %mul3A_464 = arith.muli %sub3A_462, %mul3A_463 : i32
        %dma_start3A_465 = tpu.memref_slice %arg6[%mul3A_464] : memref<4096xi32, #tpu.memory_space<vmem>> -> memref<128xi32, #tpu.memory_space<vmem>>
        %dma_start3A_466 = arith.constant 0 : i32
        %dma_start3A_467 = arith.constant 0 : i32
        %dma_start3A_468 = tpu.memref_slice %arg2[%dma_start3A_466, %dma_start3A_467] : memref<262144x128xf32, #tpu.memory_space<hbm>> -> memref<262144x128xf32, #tpu.memory_space<hbm>>
        tpu.enqueue_indirect_dma source(%dma_start3A_468 : memref<262144x128xf32, #tpu.memory_space<hbm>>) target(%arg9 : memref<128x128xf32, #tpu.memory_space<vmem>>) offsets(%dma_start3A_465 : memref<128xi32, #tpu.memory_space<vmem>>) semaphore(%arg13 : memref<!tpu.dma_semaphore, #tpu.memory_space<semaphore_mem>>)
      } else {
      }
    }
    %scan3A_237 = arith.constant 8 : i32
    %dma_wait3A = arith.constant 0 : i32
    %dma_wait3A_238 = tpu.memref_slice %arg4[%mul3A_4, %dma_wait3A] : memref<131072x128xf32, #tpu.memory_space<hbm>> -> memref<128x128xf32, #tpu.memory_space<hbm>>
    %dma_wait3A_239 = arith.constant 0 : i32
    %dma_wait3A_240 = tpu.memref_slice %arg4[%mul3A_4, %dma_wait3A_239] : memref<131072x128xf32, #tpu.memory_space<hbm>> -> memref<128x128xf32, #tpu.memory_space<hbm>>
    tpu.wait_dma2 semaphore(%arg18 : memref<!tpu.dma_semaphore, #tpu.memory_space<semaphore_mem>>) src(%arg10 : memref<128x128xf32, #tpu.memory_space<vmem>>) dst(%dma_wait3A_240 : memref<128x128xf32, #tpu.memory_space<hbm>>)
    return
  }
}

</mosaic_0001>

<sc_bundles>
// kernel: _direct_slice.3.cloned.1.call-start
scs
__scs_entry_jumppad:
0x0: {  	(pc) =	sbr.rel $0x88, $3  }
0x1: {  	(tag) =	ssettag $0x0;
	lr =	simm.s32 $0x1  }
0x2: {  	[smem:$0x3F9F] =	sst lr;
	_ =	strace $0xD0000000  }
0x3: {  	_ = 	snop  }
0x4: {  	_ = 	snop  }
0x5: {  	_ = 	snop  }
0x6: {  	_ = 	snop  }
0x7: {  	_ = 	snop  }
__scs_overlays_trampoline_lowered:
0x8: {  	[smem:$0x3FAE] =	sst s0  }
0x9: {  	[smem:$0x3FAF] =	sst s1  }
0xa: {  	[smem:$0x3FB0] =	sst s2  }
0xb: {  	[smem:$0x3FB1] =	sst s3  }
0xc: {  	[smem:$0x3FB2] =	sst s4  }
0xd: {  	[smem:$0x3FB3] =	sst s5  }
0xe: {  	[smem:$0x3FB4] =	sst s6  }
0xf: {  	[smem:$0x3FB5] =	sst s7  }
0x10: {  	[smem:$0x3FB6] =	sst s8  }
0x11: {  	[smem:$0x3FB7] =	sst s9;
	s0 =	simm.s32 @!p0 $0x0  }
0x12: {  	s1 =	sld [smem:$0x3F9D];
	s0 =	simm.s32 @p0 $0x1  }
0x13: {  	[smem:$0x3FB8] =	sst s0;
	s0 =	simm.s32 @!p1 $0x0  }
0x14: {  	s2 =	sld [smem:$0x3F9C];
	s0 =	simm.s32 @p1 $0x1  }
0x15: {  	[smem:$0x3FB9] =	sst s0;
	s0 =	simm.s32 @!p2 $0x0  }
0x16: {  	s3 =	sld [smem:$0x3FDB];
	s0 =	simm.s32 @p2 $0x1  }
0x17: {  	s4 =	simm.s32 $0x1BF5;
	[smem:$0x3FBB] =	sst s0  }
0x18: {  	s0 =	sld [smem:$0x3F9E];
	_ =	swait.ge [sflag:s4], $0x0  }
0x19: {  	s7 =	sld [smem:$0x3F9F]  }
0x1a: {  	s8 =	sadd.s32 $0xFFFFE003, lr  }
0x1b: {  	s9 =	sadd.s32 $0xFFFFFEF7, lr;
	s5 =	simm.s32 $0xFFFFFFFF;
	p2 =	slt.u32 s8, $0xFFFFF086  }
0x1c: {  	p1 =	slt.u32 s9, $0xF7A;
	s5 =	simm.s32 @!p2 $0x0  }
0x1d: {  	s5 =	simm.s32 @p1 $0x1;
	p0 =	seq.s32 s7, s2  }
0x1e: {  	s7 =	smul.u32 @!p0 $0xF7A, s2;
	p2 =	seq.s32 @!p0 s5, $0x0  }
0x1f: {  	s9 =	smul.u32 $0xF7A, s1;
	s8 =	simm.s32 @!p0 $0x1BF5;
	p2 =	por !p2, p0  }
0x20: {  	[sflag:s8] =	ssyncset.s32 @!p0 $0xFFFFF086;
	s6 =	sadd.s32 @!p0 s3, s7;
	s7 =	simm.s32 @!p0 $0x108  }
0x21: {  	s3 =	sadd.s32 s3, s9;
	s6 =	sadd.s32 @!p0 $0x88, s6;
	s7 =	simm.s32 @p2 $0x1082  }
0x22: {  	[simem:s7], [sflag:s8] =	dma.local @!p0 [hbm:s6], $0xF7A  }
0x23: {  	s9 =	sor.u32 $0xD0000000, s2;
	s6 =	simm.s32 $0x108;
	_ =	swait.ge @!p0 [sflag:s8], $0x0  }
0x24: {  	s3 =	sadd.s32 $0x88, s3;
	s6 =	simm.s32 @!p1 $0x1082;
	[sflag:s4] =	ssyncset.s32 $0xFFFFF086  }
0x25: {  	[simem:s6], [sflag:s4] =	dma.local [hbm:s3], $0xF7A  }
0x26: {  	[smem:$0x3F9F] =	sst s1;
	(tag) =	ssettag s2;
	_ =	strace s9  }
0x27: {  	s1 =	sld [smem:$0x3FAF]  }
0x28: {  	s2 =	sld [smem:$0x3FB0]  }
0x29: {  	s4 =	sld [smem:$0x3FB2]  }
0x2a: {  	p0 =	seq.s32 s5, $0x0;
	s5 =	sld [smem:$0x3FB3]  }
0x2b: {  	s6 =	sld [smem:$0x3FB4]  }
0x2c: {  	s7 =	sld [smem:$0x3FB5]  }
0x2d: {  	s3 =	simm.s32 $0x108;
	s8 =	sld [smem:$0x3FB6]  }
0x2e: {  	s3 =	simm.s32 @!p0 $0x1082;
	s9 =	sld [smem:$0x3FB7]  }
0x2f: {  	lr =	sadd.s32 s0, s3;
	s0 =	sld [smem:$0x3FAE]  }
0x30: {  	s3 =	sld [smem:$0x3FB1]  }
0x31: {  	[smem:$0x3FBA] =	sst s10  }
0x32: {  	s10 =	sld [smem:$0x3FB8];
	_ =	sdelay $0x3  }
0x33: {  	p0 =	seq.s32 s10, $0x1;
	s10 =	sld [smem:$0x3FBA];
	_ =	sdelay $0x3  }
0x34: {  	[smem:$0x3FBA] =	sst s10  }
0x35: {  	s10 =	sld [smem:$0x3FB9];
	_ =	sdelay $0x3  }
0x36: {  	p1 =	seq.s32 s10, $0x1;
	s10 =	sld [smem:$0x3FBA];
	_ =	sdelay $0x3  }
0x37: {  	[smem:$0x3FBA] =	sst s10  }
0x38: {  	s10 =	sld [smem:$0x3FBB]  }
0x39: {  	_ = 	snop;
	(pc) =	sbr.ind lr, $3  }
0x3a: {  	_ = 	snop  }
0x3b: {  	_ = 	snop  }
0x3c: {  	p2 =	seq.s32 s10, $0x1;
	s10 =	sld [smem:$0x3FBA]  }
0x3d: {  	_ =	shalt  }
0x3e: {  	_ =	shalt  }
0x3f: {  	_ =	shalt  }
0x40: {  	_ =	shalt  }
0x41: {  	_ =	shalt  }
0x42: {  	_ =	shalt  }
0x43: {  	_ =	shalt  }
0x44: {  	_ =	shalt  }
0x45: {  	_ =	shalt  }
0x46: {  	_ =	shalt  }
0x47: {  	_ =	shalt  }
0x48: {  	_ =	shalt  }
0x49: {  	_ =	shalt  }
0x4a: {  	_ =	shalt  }
0x4b: {  	_ =	shalt  }
0x4c: {  	_ =	shalt  }
0x4d: {  	_ =	shalt  }
0x4e: {  	_ =	shalt  }
0x4f: {  	_ =	shalt  }
0x50: {  	_ =	shalt  }
0x51: {  	_ =	shalt  }
0x52: {  	_ =	shalt  }
0x53: {  	_ =	shalt  }
0x54: {  	_ =	shalt  }
0x55: {  	_ =	shalt  }
0x56: {  	_ =	shalt  }
0x57: {  	_ =	shalt  }
0x58: {  	_ =	shalt  }
0x59: {  	_ =	shalt  }
0x5a: {  	_ =	shalt  }
0x5b: {  	_ =	shalt  }
0x5c: {  	_ =	shalt  }
0x5d: {  	_ =	shalt  }
0x5e: {  	_ =	shalt  }
0x5f: {  	_ =	shalt  }
0x60: {  	_ =	shalt  }
0x61: {  	_ =	shalt  }
0x62: {  	_ =	shalt  }
0x63: {  	_ =	shalt  }
0x64: {  	_ =	shalt  }
0x65: {  	_ =	shalt  }
0x66: {  	_ =	shalt  }
0x67: {  	_ =	shalt  }
0x68: {  	_ =	shalt  }
0x69: {  	_ =	shalt  }
0x6a: {  	_ =	shalt  }
0x6b: {  	_ =	shalt  }
0x6c: {  	_ =	shalt  }
0x6d: {  	_ =	shalt  }
0x6e: {  	_ =	shalt  }
0x6f: {  	_ =	shalt  }
0x70: {  	_ =	shalt  }
0x71: {  	_ =	shalt  }
0x72: {  	_ =	shalt  }
0x73: {  	_ =	shalt  }
0x74: {  	_ =	shalt  }
0x75: {  	_ =	shalt  }
0x76: {  	_ =	shalt  }
0x77: {  	_ =	shalt  }
0x78: {  	_ =	shalt  }
0x79: {  	_ =	shalt  }
0x7a: {  	_ =	shalt  }
0x7b: {  	_ =	shalt  }
0x7c: {  	_ =	shalt  }
0x7d: {  	_ =	shalt  }
0x7e: {  	_ =	shalt  }
0x7f: {  	_ =	shalt  }
0x80: {  	_ =	shalt  }
0x81: {  	_ =	shalt  }
0x82: {  	_ =	shalt  }
0x83: {  	_ =	shalt  }
0x84: {  	_ =	shalt  }
0x85: {  	_ =	shalt  }
0x86: {  	_ =	shalt  }
0x87: {  	_ =	shalt  }
.Lfunc_end0:
.L_simem_size_0:
called_computation_lowered:
.L_overlay_start_0:
0x88: {  	s2 =	sld [smem:$0x3FD9]  }
0x89: {  	s3 =	sld [smem:$0x3FFE];
	_ =	sdelay $0x1  }
0x8a: {  	s1 =	srdreg.scid  }
0x8b: {  	s0 =	sand.u32 $0x1, s1  }
0x8c: {  	s18 =	sshll.u32 s0, $0xA;
	s2 =	sadd.s32 s3, s2  }
0x8d: {  	s2 =	sadd.s32 s2, s18  }
0x8e: {  	[smem:$0x3FC6] =	sst s2  }
0x8f: {  	_ = 	snop  }
0x90: {  	s2 =	sld [smem:$0x3FC9]  }
0x91: {  	s19 =	sld [smem:$0x3FC8]  }
0x92: {  	s4 =	sld [smem:$0x3FD0];
	(tm) =	ssettm $0x1  }
0x93: {  	s5 =	sld [smem:$0x3FFB];
	_ =	sdelay $0x3  }
0x94: {  	_ =	strace s5  }
0x95: {  	s5 =	sld [smem:$0x3FFC];
	_ =	sdelay $0x3  }
0x96: {  	_ =	strace s5  }
0x97: {  	s5 =	sld [smem:$0x3FFD];
	_ =	sdelay $0x3  }
0x98: {  	_ =	strace s5  }
0x99: {  	_ =	strace $0x8FFFFFFF  }
0x9a: {  	s20 =	sld [smem:$0x3FDB];
	_ =	sdelay $0x1  }
0x9b: {  	s6 =	simm.s32 $_scs_section_size  }
0x9c: {  	s7 =	simm.s32 $_size__tile_overlayer_lowered;
	s8 =	simm.s32 $_tile_overlayer_lowered  }
0x9d: {  	s23 =	simm.s32 $0x1BFF;
	s22 =	sshll.u32 s8, $0x1;
	s5 =	sadd.s32 s6, s20  }
0x9e: {  	s9 =	simm.s32 $0x0;
	s21 =	sshll.u32 s7, $0x1;
	s7 =	sadd.s32 s22, s5  }
0x9f: {  	[timem:s9], [sflag:s23] =	dma.local [hbm:s7], s21  }
0xa0: {  	_ =	swait.ge [sflag:s23], s21  }
0xa1: {  	s6 =	ssub.s32 $0x0, s21;
	[sflag:s23] =	ssyncset.done $0x0  }
0xa2: {  	[sflag:s23] =	ssyncadd.s32 s6;
	_ =	sdelay $0x1  }
0xa3: {  	s24 =	simm.s32 $0x1B8B  }
0xa4: {  	_ =	swait.ge [sflag:s24], $0x1  }
0xa5: {  	[sflag:s24] =	ssyncset.done $0x0  }
0xa6: {  	s25 =	simm.s32 $0x1B8E;
	[sflag:s24] =	ssyncadd.s32 $0xFFFFFFFF  }
0xa7: {  	s26 =	simm.s32 $execute0_lowered;
	[smem:$0x3FD2] =	sst s25  }
0xa8: {  	s6 =	sshll.u32 s26, $0x1;
	_ =	strace $0x80000046;
	[dreg:$0x1] =	wrdreg $0xFFFFFFFF  }
0xa9: {  	s28 =	simm.s32 $_size_execute0_lowered;
	s5 =	sadd.s32 s5, s6;
	[dreg:$0x0] =	wrdreg $0x0  }
0xaa: {  	s6 =	sshll.u32 s28, $0x1;
	[dreg:$0x2] =	wrdreg s5  }
0xab: {  	[dreg:$0x3] =	wrdreg s6  }
0xac: {  	[dreg:$0x4] =	wrdreg $0xC0  }
0xad: {  	_ =	task [dreg:s9], $0x5FFFF  }
0xae: {  	[dreg:$0x1] =	wrdreg $0xFFFFFFFF  }
0xaf: {  	[dreg:$0x0] =	wrdreg $0x60  }
0xb0: {  	[dreg:$0x2] =	wrdreg s2  }
0xb1: {  	[dreg:$0x3] =	wrdreg s19  }
0xb2: {  	[dreg:$0x4] =	wrdreg s4  }
0xb3: {  	[dreg:$0x5] =	wrdreg $0x9  }
0xb4: {  	_ =	task.clear_ibuf [dreg:s9], $0x6FFFF;
	_ =	strace $0x90000046  }
0xb5: {  	s29 =	simm.s32 $0x9;
	_ =	strace $0x80000048  }
0xb6: {  	_ =	swait.ge [sflag:s29], $0x1  }
0xb7: {  	[sflag:s29] =	ssyncadd.s32 $0xFFFFFFFF  }
0xb8: {  	_ =	strace $0x90000048  }
0xb9: {  	_ =	sfence  }
0xba: {  	s30 =	sld [smem:$0x0];
	_ =	sdelay $0x2  }
0xbb: {  	s31 =	sshll.u32 s1, $0xD;
	s1 =	sshrl.u32 s1, $0x2  }
0xbc: {  	s3 =	sand.u32 $0x4000, s31;
	s1 =	sadd.s32 s1, s30  }
0xbd: {  	s0 =	sor.u32 s3, s0;
	s1 =	sshll.u32 s1, $0x11  }
0xbe: {  	s0 =	sor.u32 s1, s0  }
0xbf: {  	s0 =	sadd.s32 $0x8F2B, s0  }
0xc0: {  	[sflag:s0] =	ssyncadd.remote.s32 $0x1  }
0xc1: {  	_ =	sfence.sel $0xFFFF  }
0xc2: {  	[dreg:$0x0] =	wrdreg $0xFFFFFFFF;
	(pc) =	sbr.abs _section_cstart, $3  }
0xc3: {  	[dreg:$0x1] =	wrdreg $0xFFFFFFFF  }
0xc4: {  	_ =	task.clear_ibuf [dreg:s9], $0x2FFFF;
	_ =	strace $0x9FFFFFFF  }
0xc5: {  	(tm) =	ssettm $0x7FFFFFFF  }
tec
execute0_lowered:
.L_overlay_start_1:
0x0: {  	(tag) =	ssettag $0x1  }
0x1: {  	s1 =	rddreg [dreg:$0x0]  }
0x2: {  	s2 =	rddreg [dreg:$0x1]  }
0x3: {  	s5 =	rddreg [dreg:$0x2];
	s3 =	srdreg.scid  }
0x4: {  	s4 =	simm.s32 $0x0;
	s10 =	simm.s32 $0x2000;
	s11 =	simm.s32 $0x1080  }
0x5: {  	s12 =	simm.s32 $0x6000;
	s13 =	simm.s32 $0x1100;
	s14 =	simm.s32 $0xA000  }
0x6: {  	s15 =	simm.s32 $0x1;
	s16 =	simm.s32 $0xE000;
	s17 =	simm.s32 $0x2  }
0x7: {  	s18 =	simm.s32 $0x5;
	s19 =	simm.s32 $0x3;
	s20 =	simm.s32 $0x6  }
0x8: {  	s21 =	simm.s32 $0x4;
	s23 =	simm.s32 $0x8;
	s24 =	simm.s32 $0x0  }
0x9: {  	s6 =	sand.u32 $0x1, s3;
	[smem:$0x7FF] =	sst s4;
	s3 =	stileid.u32  }
0xa: {  	s7 =	ssub.s32 $0x2, s6;
	_ =	strace $0x80000047;
	s9 =	sshll.u32 s3, $0x11  }
.Ltmp0:
0xb: {  	s30 =	sshll.u32 s6, $0x10;
	s31 =	sshll.u32 s3, $0xE;
	(pc) =	sbr.rel .LBB2_1-.Ltmp0, $4  }
0xc: {  	s6 =	sshll.u32 s6, $0xD;
	s8 =	sshrl.u32 s7, $0x1;
	s5 =	sadd.s32 s9, s5  }
0xd: {  	s22 =	sor.u32 s6, s31;
	s9 =	simm.s32 $0x1000;
	s7 =	ssub.s32 s7, s8  }
0xe: {  	s8 =	sadd.s32 s30, s5;
	v0 =	vmov s22;
	s22 =	simm.s32 $0x7;
	s5 =	smax.u32 s7, $0x1  }
0xf: {  	s6 =	sadd.s32 $0x1000, s8;
	s7 =	simm.s32 $0x9;
	s8 =	simm.s32 $0x80  }
.LBB2_4:
0x10: {  	s24 =	sadd.s32 $0x1, s24  }
0x11: {  	p0 =	sne.s32 s24, s5  }
.Ltmp1:
0x12: {  	_ = 	snop;
	(pc) =	sbr.rel @!p0 .LBB2_5-.Ltmp1, $4  }
0x13: {  	_ = 	snop  }
0x14: {  	_ =	swait.ge [sflag:s23], $0x4000  }
0x15: {  	[sflag:s23] =	ssyncset.done $0x0  }
0x16: {  	[sflag:s23] =	ssyncadd.s32 $0xFFFFC000  }
.LBB2_1:
0x17: {  	[tilespmem:s4], [sflag:$0x9] =	stream.linear.gather [hbm4b:s2+s4], $0x1000, $0x38;
	[tilespmem:$0x12000] =	vst v63  }
0x18: {  	_ =	swait.ge [sflag:s7], $0x1000  }
0x19: {  	[sflag:s7] =	ssyncset.done $0x0  }
0x1a: {  	[sflag:s7] =	ssyncadd.s32 $0xFFFFF000  }
0x1b: {  	v1 =	vld [tilespmem:$0x0]  }
0x1c: {  	v2 =	vld [tilespmem:$0x10]  }
0x1d: {  	v3 =	vld [tilespmem:$0x20]  }
0x1e: {  	v4 =	vld [tilespmem:$0x30]  }
0x1f: {  	v5 =	vld [tilespmem:$0x40]  }
0x20: {  	v6 =	vld [tilespmem:$0x50];
	v1 =	vadd.s32 v0, v1  }
0x21: {  	[tilespmem:$0x1000] =	vst v1;
	v1 =	vadd.s32 v0, v2;
	v2 =	vld [tilespmem:$0x60]  }
0x22: {  	[tilespmem:$0x1010] =	vst v1;
	v1 =	vadd.s32 v0, v3;
	v3 =	vld [tilespmem:$0x70]  }
0x23: {  	[tilespmem:$0x1020] =	vst v1;
	v1 =	vadd.s32 v0, v4  }
0x24: {  	[tilespmem:$0x1030] =	vst v1;
	v1 =	vadd.s32 v0, v5  }
0x25: {  	[tilespmem:$0x1040] =	vst v1;
	v1 =	vadd.s32 v0, v6  }
0x26: {  	[tilespmem:$0x1050] =	vst v1;
	v1 =	vadd.s32 v0, v2  }
0x27: {  	[tilespmem:$0x1060] =	vst v1;
	v1 =	vadd.s32 v0, v3  }
0x28: {  	[tilespmem:$0x1070] =	vst v1  }
0x29: {  	[tilespmem:s10], [sflag:$0x1] =	stream.indirect.gather [hbm4b:s1+s8], $0x80, s9, s8, $0xb8;
	[tilespmem:$0x12000] =	vst v63  }
0x2a: {  	v1 =	vld [tilespmem:$0x80]  }
0x2b: {  	v2 =	vld [tilespmem:$0x90]  }
0x2c: {  	v3 =	vld [tilespmem:$0xA0]  }
0x2d: {  	v58 =	vld [tilespmem:$0xB0]  }
0x2e: {  	v59 =	vld [tilespmem:$0xC0]  }
0x2f: {  	v60 =	vld [tilespmem:$0xD0];
	v1 =	vadd.s32 v0, v1  }
0x30: {  	[tilespmem:$0x1080] =	vst v1;
	v1 =	vadd.s32 v0, v2;
	v2 =	vld [tilespmem:$0xE0]  }
0x31: {  	[tilespmem:$0x1090] =	vst v1;
	v1 =	vadd.s32 v0, v3;
	v3 =	vld [tilespmem:$0xF0]  }
0x32: {  	[tilespmem:$0x10A0] =	vst v1;
	v1 =	vadd.s32 v0, v58  }
0x33: {  	[tilespmem:$0x10B0] =	vst v1;
	v1 =	vadd.s32 v0, v59  }
0x34: {  	[tilespmem:$0x10C0] =	vst v1;
	v1 =	vadd.s32 v0, v60  }
0x35: {  	[tilespmem:$0x10D0] =	vst v1;
	v1 =	vadd.s32 v0, v2  }
0x36: {  	[tilespmem:$0x10E0] =	vst v1;
	v1 =	vadd.s32 v0, v3  }
0x37: {  	[tilespmem:$0x10F0] =	vst v1  }
0x38: {  	[tilespmem:s12], [sflag:$0x2] =	stream.indirect.gather [hbm4b:s1+s8], $0x80, s11, s8, $0xb8;
	[tilespmem:$0x12000] =	vst v63  }
0x39: {  	v1 =	vld [tilespmem:$0x100]  }
0x3a: {  	v2 =	vld [tilespmem:$0x110]  }
0x3b: {  	v3 =	vld [tilespmem:$0x120]  }
0x3c: {  	v61 =	vld [tilespmem:$0x130]  }
0x3d: {  	v62 =	vld [tilespmem:$0x140]  }
0x3e: {  	v63 =	vld [tilespmem:$0x150];
	v1 =	vadd.s32 v0, v1  }
0x3f: {  	[tilespmem:$0x1100] =	vst v1;
	v1 =	vadd.s32 v0, v2;
	v2 =	vld [tilespmem:$0x160]  }
0x40: {  	[tilespmem:$0x1110] =	vst v1;
	v1 =	vadd.s32 v0, v3;
	v3 =	vld [tilespmem:$0x170]  }
0x41: {  	[tilespmem:$0x1120] =	vst v1;
	v1 =	vadd.s32 v0, v61  }
0x42: {  	[tilespmem:$0x1130] =	vst v1;
	v1 =	vadd.s32 v0, v62  }
0x43: {  	[tilespmem:$0x1140] =	vst v1;
	v1 =	vadd.s32 v0, v63  }
0x44: {  	[tilespmem:$0x1150] =	vst v1;
	v1 =	vadd.s32 v0, v2  }
0x45: {  	[tilespmem:$0x1160] =	vst v1;
	v1 =	vadd.s32 v0, v3  }
0x46: {  	s25 =	smov.u32 s6;
	s26 =	simm.s32 $0x0;
	[tilespmem:$0x1170] =	vst v1  }
0x47: {  	[tilespmem:s14], [sflag:$0x3] =	stream.indirect.gather [hbm4b:s1+s8], $0x80, s13, s8, $0xb8;
	[tilespmem:$0x12000] =	vst v63  }
.LBB2_2:
0x48: {  	_ =	swait.ge [sflag:s15], $0x4000  }
0x49: {  	[sflag:s15] =	ssyncset.done $0x0  }
0x4a: {  	s28 =	sadd.s32 $0xFFFFF000, s25;
	p0 =	seq.s32 s26, $0x0;
	[sflag:s15] =	ssyncadd.s32 $0xFFFFC000  }
0x4b: {  	[hbm4b:s28+s4] =	stream.linear.scatter [tilespmem:s10], [sflag:$0x5], $0x4000, $0x38;
	[tilespmem:$0x12000] =	vst v63  }
0x4c: {  	s28 =	simm.s32 @!p0 $0x8  }
0x4d: {  	_ =	swait.ge @!p0 [sflag:s28], $0x4000  }
0x4e: {  	[sflag:s28] =	ssyncset.done @!p0 $0x0  }
0x4f: {  	[sflag:s28] =	ssyncadd.s32 @!p0 $0xFFFFC000;
	s28 =	sshra.s32 s26, $0x2  }
0x50: {  	v1 =	vld [tilespmem:s28+$0x180]  }
0x51: {  	v2 =	vld [tilespmem:s28+$0x190]  }
0x52: {  	v3 =	vld [tilespmem:s28+$0x1A0]  }
0x53: {  	v4 =	vld [tilespmem:s28+$0x1B0]  }
0x54: {  	v5 =	vld [tilespmem:s28+$0x1C0]  }
0x55: {  	v6 =	vld [tilespmem:s28+$0x1D0];
	v1 =	vadd.s32 v0, v1  }
0x56: {  	[tilespmem:s28+$0x1180] =	vst v1;
	v1 =	vadd.s32 v0, v2;
	v2 =	vld [tilespmem:s28+$0x1E0]  }
0x57: {  	[tilespmem:s28+$0x1190] =	vst v1;
	v1 =	vadd.s32 v0, v3;
	v3 =	vld [tilespmem:s28+$0x1F0]  }
0x58: {  	[tilespmem:s28+$0x11A0] =	vst v1;
	v1 =	vadd.s32 v0, v4  }
0x59: {  	[tilespmem:s28+$0x11B0] =	vst v1;
	v1 =	vadd.s32 v0, v5  }
0x5a: {  	[tilespmem:s28+$0x11C0] =	vst v1;
	v1 =	vadd.s32 v0, v6  }
0x5b: {  	[tilespmem:s28+$0x11D0] =	vst v1;
	v1 =	vadd.s32 v0, v2  }
0x5c: {  	[tilespmem:s28+$0x11E0] =	vst v1;
	v1 =	vadd.s32 v0, v3  }
0x5d: {  	s29 =	sadd.s32 $0x1180, s28;
	[tilespmem:s28+$0x11F0] =	vst v1  }
0x5e: {  	[tilespmem:s16], [sflag:$0x4] =	stream.indirect.gather [hbm4b:s1+s8], $0x80, s29, s8, $0xb8;
	[tilespmem:$0x12000] =	vst v63  }
0x5f: {  	_ =	swait.ge [sflag:s17], $0x4000  }
0x60: {  	[sflag:s17] =	ssyncset.done $0x0  }
0x61: {  	s30 =	sadd.s32 $0xFFFFF800, s25;
	[sflag:s17] =	ssyncadd.s32 $0xFFFFC000  }
0x62: {  	[hbm4b:s30+s4] =	stream.linear.scatter [tilespmem:s12], [sflag:$0x6], $0x4000, $0x38;
	[tilespmem:$0x12000] =	vst v63  }
0x63: {  	_ =	swait.ge [sflag:s18], $0x4000  }
0x64: {  	p0 =	seq.s32 s26, $0x3800;
	[sflag:s18] =	ssyncset.done $0x0  }
0x65: {  	s29 =	sshra.s32 @!p0 s26, $0x2;
	[sflag:s18] =	ssyncadd.s32 $0xFFFFC000  }
0x66: {  	v1 =	vld @!p0 [tilespmem:s29+$0x200]  }
0x67: {  	v2 =	vld @!p0 [tilespmem:s29+$0x210]  }
0x68: {  	v3 =	vld @!p0 [tilespmem:s29+$0x220]  }
0x69: {  	v4 =	vld @!p0 [tilespmem:s29+$0x230]  }
0x6a: {  	v5 =	vld @!p0 [tilespmem:s29+$0x240]  }
0x6b: {  	v6 =	vld @!p0 [tilespmem:s29+$0x250];
	v1 =	vadd.s32 @!p0 v0, v1  }
0x6c: {  	[tilespmem:s29+$0x1200] =	vst @!p0 v1;
	v1 =	vadd.s32 @!p0 v0, v2;
	v2 =	vld @!p0 [tilespmem:s29+$0x260]  }
0x6d: {  	[tilespmem:s29+$0x1210] =	vst @!p0 v1;
	v1 =	vadd.s32 @!p0 v0, v3;
	v3 =	vld @!p0 [tilespmem:s29+$0x270]  }
0x6e: {  	[tilespmem:s29+$0x1220] =	vst @!p0 v1;
	v1 =	vadd.s32 @!p0 v0, v4  }
0x6f: {  	[tilespmem:s29+$0x1230] =	vst @!p0 v1;
	v1 =	vadd.s32 @!p0 v0, v5  }
0x70: {  	[tilespmem:s29+$0x1240] =	vst @!p0 v1;
	v1 =	vadd.s32 @!p0 v0, v6  }
0x71: {  	[tilespmem:s29+$0x1250] =	vst @!p0 v1;
	v1 =	vadd.s32 @!p0 v0, v2  }
0x72: {  	[tilespmem:s29+$0x1260] =	vst @!p0 v1;
	v1 =	vadd.s32 @!p0 v0, v3  }
0x73: {  	s31 =	simm.s32 @!p0 $0x80;
	s0 =	simm.s32 @!p0 $0x2000;
	s30 =	sadd.s32 @!p0 $0x1200, s29;
	[tilespmem:s29+$0x1270] =	vst @!p0 v1  }
0x74: {  	[tilespmem:s0], [sflag:$0x1] =	stream.indirect.gather @!p0 [hbm4b:s1+s31], $0x80, s30, s31, $0xb8;
	[tilespmem:$0x12000] =	vst v63  }
0x75: {  	_ =	swait.ge [sflag:s19], $0x4000  }
0x76: {  	[sflag:s19] =	ssyncset.done $0x0  }
0x77: {  	[sflag:s19] =	ssyncadd.s32 $0xFFFFC000  }
0x78: {  	[hbm4b:s25+s4] =	stream.linear.scatter [tilespmem:s14], [sflag:$0x7], $0x4000, $0x38;
	[tilespmem:$0x12000] =	vst v63  }
0x79: {  	_ =	swait.ge [sflag:s20], $0x4000  }
0x7a: {  	[sflag:s20] =	ssyncset.done $0x0  }
0x7b: {  	[sflag:s20] =	ssyncadd.s32 $0xFFFFC000  }
0x7c: {  	v1 =	vld @!p0 [tilespmem:s29+$0x280]  }
0x7d: {  	v2 =	vld @!p0 [tilespmem:s29+$0x290]  }
0x7e: {  	v3 =	vld @!p0 [tilespmem:s29+$0x2A0]  }
0x7f: {  	v4 =	vld @!p0 [tilespmem:s29+$0x2B0]  }
0x80: {  	v5 =	vld @!p0 [tilespmem:s29+$0x2C0]  }
0x81: {  	v6 =	vld @!p0 [tilespmem:s29+$0x2D0];
	v1 =	vadd.s32 @!p0 v0, v1  }
0x82: {  	[tilespmem:s29+$0x1280] =	vst @!p0 v1;
	v1 =	vadd.s32 @!p0 v0, v2;
	v2 =	vld @!p0 [tilespmem:s29+$0x2E0]  }
0x83: {  	[tilespmem:s29+$0x1290] =	vst @!p0 v1;
	v1 =	vadd.s32 @!p0 v0, v3;
	v3 =	vld @!p0 [tilespmem:s29+$0x2F0]  }
0x84: {  	[tilespmem:s29+$0x12A0] =	vst @!p0 v1;
	v1 =	vadd.s32 @!p0 v0, v4  }
0x85: {  	[tilespmem:s29+$0x12B0] =	vst @!p0 v1;
	v1 =	vadd.s32 @!p0 v0, v5  }
0x86: {  	[tilespmem:s29+$0x12C0] =	vst @!p0 v1;
	v1 =	vadd.s32 @!p0 v0, v6  }
0x87: {  	[tilespmem:s29+$0x12D0] =	vst @!p0 v1;
	v1 =	vadd.s32 @!p0 v0, v2  }
0x88: {  	[tilespmem:s29+$0x12E0] =	vst @!p0 v1;
	v1 =	vadd.s32 @!p0 v0, v3  }
0x89: {  	s0 =	sadd.s32 @!p0 $0x1280, s29;
	[tilespmem:s29+$0x12F0] =	vst @!p0 v1;
	s29 =	simm.s32 @!p0 $0x6000  }
0x8a: {  	[tilespmem:s29], [sflag:$0x2] =	stream.indirect.gather @!p0 [hbm4b:s1+s31], $0x80, s0, s31, $0xb8;
	[tilespmem:$0x12000] =	vst v63  }
0x8b: {  	_ =	swait.ge [sflag:s21], $0x4000  }
0x8c: {  	[sflag:s21] =	ssyncset.done $0x0  }
.Ltmp2:
0x8d: {  	s31 =	sadd.s32 $0x800, s25;
	[sflag:s21] =	ssyncadd.s32 $0xFFFFC000;
	(pc) =	sbr.rel @p0 .LBB2_4-.Ltmp2, $4  }
0x8e: {  	[hbm4b:s31+s4] =	stream.linear.scatter [tilespmem:s16], [sflag:$0x8], $0x4000, $0x38;
	[tilespmem:$0x12000] =	vst v63  }
0x8f: {  	_ =	swait.ge [sflag:s22], $0x4000  }
0x90: {  	[sflag:s22] =	ssyncset.done $0x0  }
0x91: {  	[sflag:s22] =	ssyncadd.s32 $0xFFFFC000  }
0x92: {  	v1 =	vld [tilespmem:s28+$0x300]  }
0x93: {  	v2 =	vld [tilespmem:s28+$0x310]  }
0x94: {  	v3 =	vld [tilespmem:s28+$0x320]  }
0x95: {  	v4 =	vld [tilespmem:s28+$0x330]  }
0x96: {  	v5 =	vld [tilespmem:s28+$0x340]  }
0x97: {  	v6 =	vld [tilespmem:s28+$0x350];
	v1 =	vadd.s32 v0, v1  }
0x98: {  	[tilespmem:s28+$0x1300] =	vst v1;
	v1 =	vadd.s32 v0, v2;
	v2 =	vld [tilespmem:s28+$0x360]  }
0x99: {  	[tilespmem:s28+$0x1310] =	vst v1;
	v1 =	vadd.s32 v0, v3;
	v3 =	vld [tilespmem:s28+$0x370]  }
0x9a: {  	[tilespmem:s28+$0x1320] =	vst v1;
	v1 =	vadd.s32 v0, v4  }
0x9b: {  	[tilespmem:s28+$0x1330] =	vst v1;
	v1 =	vadd.s32 v0, v5  }
.Ltmp3:
0x9c: {  	[tilespmem:s28+$0x1340] =	vst v1;
	v1 =	vadd.s32 v0, v6;
	(pc) =	sbr.rel .LBB2_2-.Ltmp3, $4  }
0x9d: {  	[tilespmem:s28+$0x1350] =	vst v1;
	v1 =	vadd.s32 v0, v2  }
0x9e: {  	[tilespmem:s28+$0x1360] =	vst v1;
	v1 =	vadd.s32 v0, v3  }
0x9f: {  	s0 =	sadd.s32 $0x1300, s28;
	s26 =	sadd.s32 $0x800, s26;
	s25 =	sadd.s32 $0x2000, s25;
	[tilespmem:s28+$0x1370] =	vst v1  }
0xa0: {  	[tilespmem:s14], [sflag:$0x3] =	stream.indirect.gather [hbm4b:s1+s8], $0x80, s0, s8, $0xb8;
	[tilespmem:$0x12000] =	vst v63  }
.LBB2_5:
0xa1: {  	_ =	sfence.sel $0x180000  }
0xa2: {  	[bflag:$0x0] =	sbarrier.arrive $0xFFFF  }
0xa3: {  	_ =	strace $0x90000047  }
0xa4: {  	[bflag:$0x2] =	sbarrier.arrive $0xFFFF  }
0xa5: {  	p0 =	sne.s32 s3, $0x0;
	s0 =	rddreg [dreg:$0x3]  }
0xa6: {  	s0 =	sadd.s32 @!p0 $0x100000, s0  }
0xa7: {  	[sflag:s0] =	ssyncadd.tile.s32 @!p0 $0x1;
	_ =	shalt  }
.Lfunc_end2:
_tile_overlayer_lowered:
.L_overlay_start_2:
0xa8: {  	(tag) =	ssettag $0x2  }
0xa9: {  	s0 =	rddreg [dreg:$0x0];
	s2 =	stileid.u32  }
0xaa: {  	s1 =	rddreg [dreg:$0x1];
	p0 =	sne.s32 s2, $0x0  }
0xab: {  	s3 =	rddreg [dreg:$0x2];
	[bflag:$0x3] =	sbarrier.arrive $0xFFFF;
	s2 =	simm.s32 @!p0 $0x1C09  }
0xac: {  	[timem:s3], [sflag:s2] =	dma.local @!p0 [hbm:s0], s1  }
0xad: {  	s0 =	simm.s32 @!p0 $0x9  }
0xae: {  	_ =	swait.ge @!p0 [sflag:s0], s1  }
0xaf: {  	s1 =	ssub.s32 @!p0 $0x0, s1;
	[sflag:s0] =	ssyncset.done @!p0 $0x0  }
0xb0: {  	[sflag:s0] =	ssyncadd.s32 @!p0 s1  }
0xb1: {  	[bflag:$0x3] =	sbarrier.arrive $0xFFFF  }
0xb2: {  	_ =	shalt  }

</sc_bundles>
